<compile_context>
chip_gen: v7x
topology: tpu7x:2x2x1
jax: 0.10.2.dev20260603
libtpu: 0.0.44.dev20260713+nightly
codegen_flags: <defaults>
</compile_context>

<pallas_src>
import functools

import jax
import jax.numpy as jnp
from jax import lax
from jax.experimental import pallas as pl
from jax.experimental.pallas import tpu as pltpu
from jax.experimental.pallas import tpu_sc as plsc

_N = 10000
_E = 320000
_D = 128

_NC = 2
_NS = 16
_NW = _NC * _NS
_EPW = _E // _NW
_C = 125
_NCHUNK = _EPW // _C
_RPT = 632
_RPT_LAST = _N - (_NS - 1) * _RPT


@functools.lru_cache(maxsize=None)
def _make_seg_sum(with_counts: bool):

    mesh = plsc.VectorSubcoreMesh(core_axis_name="c", subcore_axis_name="s",
                                  num_cores=_NC, num_subcores=_NS)
    out_type = [jax.ShapeDtypeStruct((_NC, _N, _D), jnp.float32)]
    scratch = [
        pltpu.VMEM_SHARED((_N, _D), jnp.float32),
        pltpu.VMEM((_NCHUNK, _C), jnp.int32),
        pltpu.VMEM((_NCHUNK, _C), jnp.int32),
        pltpu.VMEM((_C, _D), jnp.float32),
        pltpu.SemaphoreType.DMA,
    ]
    if with_counts:
        out_type.append(jax.ShapeDtypeStruct((_NC, _N), jnp.float32))
        scratch.append(pltpu.VMEM_SHARED((_N,), jnp.float32))
        scratch.append(pltpu.VMEM((128,), jnp.float32))
        scratch.append(pltpu.SemaphoreType.DMA)

    @functools.partial(
        pl.kernel,
        out_type=tuple(out_type),
        mesh=mesh,
        scratch_types=tuple(scratch),
    )
    def seg_sum(x_hbm, src_hbm, dst_hbm, zrows_hbm, zn_hbm, *rest):
        if with_counts:
            (sum_out, cnt_out, acc, src_v, dst_v, rows_v, gsem,
             cnt, ones_v, csem) = rest
        else:
            sum_out, acc, src_v, dst_v, rows_v, gsem = rest
        c = lax.axis_index("c")
        s = lax.axis_index("s")
        w = s * _NC + c

        base = pl.multiple_of(s * _RPT, 8)

        @pl.when(s < _NS - 1)
        def _():
            pltpu.sync_copy(zrows_hbm.at[pl.ds(0, _RPT)], acc.at[pl.ds(base, _RPT)])

        @pl.when(s == _NS - 1)
        def _():
            pltpu.sync_copy(zrows_hbm.at[pl.ds(0, _RPT_LAST)],
                            acc.at[pl.ds(base, _RPT_LAST)])
        if with_counts:

            @pl.when(s == 0)
            def _():
                pltpu.sync_copy(zn_hbm, cnt)

            for k in range(8):
                ones_v[pl.ds(k * 16, 16)] = jnp.ones((16,), jnp.float32)

        pltpu.sync_copy(src_hbm.at[w], src_v)
        pltpu.sync_copy(dst_hbm.at[w], dst_v)
        plsc.subcore_barrier()

        def chunk_body(j, carry):
            pltpu.async_copy(x_hbm.at[src_v.at[j]], rows_v, gsem).wait()
            pltpu.sync_copy(rows_v, acc.at[dst_v.at[j]], add=True)
            if with_counts:
                pltpu.async_copy(ones_v.at[pl.ds(0, _C)], cnt.at[dst_v.at[j]],
                                 csem, add=True)
            return carry

        lax.fori_loop(0, _NCHUNK, chunk_body, 0)
        if with_counts:
            def drain_body(j, carry):
                pltpu.make_async_copy(ones_v.at[pl.ds(0, _C)],
                                      cnt.at[dst_v.at[j]], csem).wait()
                return carry

            lax.fori_loop(0, _NCHUNK, drain_body, 0)
        plsc.subcore_barrier()

        @pl.when(s < _NS - 1)
        def _():
            pltpu.sync_copy(acc.at[pl.ds(base, _RPT)],
                            sum_out.at[c, pl.ds(base, _RPT)])

        @pl.when(s == _NS - 1)
        def _():
            pltpu.sync_copy(acc.at[pl.ds(base, _RPT_LAST)],
                            sum_out.at[c, pl.ds(base, _RPT_LAST)])
        if with_counts:

            @pl.when(s == 0)
            def _():
                pltpu.sync_copy(cnt, cnt_out.at[c])

    return seg_sum


def _dense1_body(parts, cnts, x, w_l_t, b_l, w_r_t, gamma, beta, h_ref, cinv_ref):
    cnt = cnts[0] + cnts[1]
    cinv = 1.0 / jnp.maximum(cnt, 1.0)
    agg = (parts[0] + parts[1]) * cinv
    h = (jnp.dot(agg, w_l_t[...], preferred_element_type=jnp.float32)
         + b_l[...]
         + jnp.dot(x[...], w_r_t[...], preferred_element_type=jnp.float32))
    m = jnp.mean(h, axis=0, keepdims=True)
    v = jnp.mean((h - m) * (h - m), axis=0, keepdims=True)
    h = (h - m) * lax.rsqrt(v + 1e-5) * gamma[...] + beta[...]
    h_ref[...] = jnp.where(h >= 0, h, 0.01 * h)
    cinv_ref[...] = cinv


def _dense2_body(parts, cinv, h, w_l_t, b_l, w_r_t, out_ref):
    agg = (parts[0] + parts[1]) * cinv[...]
    out_ref[...] = (jnp.dot(agg, w_l_t[...], preferred_element_type=jnp.float32)
                    + b_l[...]
                    + jnp.dot(h[...], w_r_t[...], preferred_element_type=jnp.float32))


_dense1 = pl.pallas_call(
    _dense1_body,
    out_shape=(jax.ShapeDtypeStruct((_N, _D), jnp.float32),
               jax.ShapeDtypeStruct((_N, 1), jnp.float32)),
)

_dense2 = pl.pallas_call(
    _dense2_body,
    out_shape=jax.ShapeDtypeStruct((_N, _D), jnp.float32),
)


def kernel(x, edge_index, W1_l, b1_l, W1_r, bn_gamma, bn_beta, W2_l, b2_l, W2_r):
    src = edge_index[0].reshape(_NW, _NCHUNK, _C)
    dst = edge_index[1].reshape(_NW, _NCHUNK, _C)
    zrows = jnp.zeros((_RPT, _D), jnp.float32)
    zn = jnp.zeros((_N,), jnp.float32)

    parts1, cnts = _make_seg_sum(True)(x, src, dst, zrows, zn)
    h, cinv = _dense1(parts1, cnts[:, :, None], x, W1_l.T, b1_l[None, :],
                      W1_r.T, bn_gamma[None, :], bn_beta[None, :])
    (parts2,) = _make_seg_sum(False)(h, src, dst, zrows, zn)
    out = _dense2(parts2, cinv, h, W2_l.T, b2_l[None, :], W2_r.T)
    return out

# --- scband reference (transcript-rebuilt; emitter-appended) ---
"""Pipeline reference for scband-gnnencoder-76802605187487 (READ-ONLY COPY).

The authoritative reference and input builder live on the scoring server;
editing this copy changes nothing except your own understanding.
"""

import jax, jax.numpy as jnp
import numpy as np

N = 10000
E = 320000
D = 128


def setup_inputs(seed: int = 0) -> dict:
    key = jax.random.key(seed)
    ks = jax.random.split(key, 12)
    x = jax.random.normal(ks[0], (N, D), dtype=jnp.float32)
    edge_index = jax.random.randint(ks[1], (2, E), 0, N, dtype=jnp.int32)
    s = 1.0 / np.sqrt(D)
    # SAGEConv layer 1: lin_l (aggregated neighbors, with bias), lin_r (root, no bias)
    W1_l = jax.random.uniform(ks[2], (D, D), dtype=jnp.float32, minval=-s, maxval=s)
    b1_l = jax.random.uniform(ks[3], (D,), dtype=jnp.float32, minval=-s, maxval=s)
    W1_r = jax.random.uniform(ks[4], (D, D), dtype=jnp.float32, minval=-s, maxval=s)
    # BatchNorm1d params
    bn_gamma = jnp.ones((D,), dtype=jnp.float32)
    bn_beta = jnp.zeros((D,), dtype=jnp.float32)
    # SAGEConv layer 2
    W2_l = jax.random.uniform(ks[5], (D, D), dtype=jnp.float32, minval=-s, maxval=s)
    b2_l = jax.random.uniform(ks[6], (D,), dtype=jnp.float32, minval=-s, maxval=s)
    W2_r = jax.random.uniform(ks[7], (D, D), dtype=jnp.float32, minval=-s, maxval=s)
    return {"x": x, "edge_index": edge_index, "W1_l": W1_l, "b1_l": b1_l, "W1_r": W1_r,
            "bn_gamma": bn_gamma, "bn_beta": bn_beta, "W2_l": W2_l, "b2_l": b2_l, "W2_r": W2_r}


def _sage_conv(x, src, dst, W_l, b_l, W_r):
    # PyG SAGEConv with mean aggregation: out = lin_l(mean_{j in N(i)} x_j) + lin_r(x_i)
    msgs = x[src]  # gather source-node features per edge
    summed = jax.ops.segment_sum(msgs, dst, num_segments=N)
    cnt = jax.ops.segment_sum(jnp.ones((msgs.shape[0], 1), dtype=x.dtype), dst, num_segments=N)
    agg = summed / jnp.clip(cnt, 1.0, None)
    return agg @ W_l.T + b_l + x @ W_r.T


def reference(x, edge_index, W1_l, b1_l, W1_r, bn_gamma, bn_beta, W2_l, b2_l, W2_r):
    src = edge_index[0]
    dst = edge_index[1]
    # layer 1
    h = _sage_conv(x, src, dst, W1_l, b1_l, W1_r)
    # BatchNorm1d (training-mode statistics over node dimension)
    mean = jnp.mean(h, axis=0)
    var = jnp.var(h, axis=0)
    h = (h - mean) / jnp.sqrt(var + 1e-5) * bn_gamma + bn_beta
    # LeakyReLU (default negative_slope=0.01); dropout p=0.0 is identity
    h = jnp.where(h >= 0, h, 0.01 * h)
    # layer 2
    node_emb = _sage_conv(h, src, dst, W2_l, b2_l, W2_r)
    return node_emb

if __name__ == "__main__":
    import jax
    _d = setup_inputs()
    print(jax.jit(kernel)(*tuple(_d.values())))

</pallas_src>

<mosaic_0001>
#map = affine_map<(d0, d1) -> (0, 0)>
#map1 = affine_map<(d0, d1) -> (0, 0, 0)>
#map2 = affine_map<(d0, d1) -> (0)>
module attributes {stable_mosaic.version = 14 : i64} {
  func.func @seg_sum(%arg0: i32, %arg1: i32, %arg2: memref<10000x128xf32, #tpu.memory_space<hbm>>, %arg3: memref<32x80x125xi32, #tpu.memory_space<hbm>>, %arg4: memref<32x80x125xi32, #tpu.memory_space<hbm>>, %arg5: memref<632x128xf32, #tpu.memory_space<hbm>>, %arg6: memref<10000xf32, #tpu.memory_space<hbm>>, %arg7: memref<2x10000x128xf32, #tpu.memory_space<hbm>>, %arg8: memref<10000x128xf32, #tpu.memory_space<vmem_shared>>, %arg9: memref<80x125xi32, #tpu.memory_space<vmem>>, %arg10: memref<80x125xi32, #tpu.memory_space<vmem>>, %arg11: memref<125x128xf32, #tpu.memory_space<vmem>>, %arg12: memref<!tpu.dma_semaphore, #tpu.memory_space<semaphore_mem>>) attributes {dimension_semantics = [#tpu.dimension_semantics<core_parallel>, #tpu.dimension_semantics<subcore_parallel>], iteration_bounds = array<i64: 2, 16>, scalar_prefetch = 0 : i64, scratch_operands = 5 : i64, tpu.core_type = #tpu.core_type<sc_vector_subcore>, window_params = [{transform_indices = #map}, {transform_indices = #map1}, {transform_indices = #map1}, {transform_indices = #map}, {transform_indices = #map2}, {transform_indices = #map1}]} {
    %mul3A = arith.constant 2 : i32
    %mul3A_0 = arith.muli %arg1, %mul3A : i32
    %add3A = arith.addi %mul3A_0, %arg0 : i32
    %mul3A_1 = arith.constant 632 : i32
    %mul3A_2 = arith.muli %arg1, %mul3A_1 : i32
    %multiple_of3A = tpu.assume_multiple %mul3A_2, 8 : i32
    %lt3A = arith.constant 15 : i32
    %lt3A_3 = arith.cmpi slt, %arg1, %lt3A : i32
    %convert_element_type3A = arith.extui %lt3A_3 : i1 to i32
    %cond3A = arith.constant 0 : i32
    %cond3A_4 = arith.cmpi ne, %convert_element_type3A, %cond3A : i32
    scf.if %cond3A_4 {
      "tpu.region"() ({
        %run_scoped3A = tpu.sem_alloc : memref<!tpu.dma_semaphore, #tpu.memory_space<semaphore_mem>>
        %dma_start3A = arith.constant 0 : i32
        %dma_start3A_25 = tpu.memref_slice %arg8[%multiple_of3A, %dma_start3A] : memref<10000x128xf32, #tpu.memory_space<vmem_shared>> -> memref<632x128xf32, #tpu.memory_space<vmem_shared>>
        %dma_start3A_26 = arith.constant 0 : i32
        %dma_start3A_27 = arith.constant 0 : i32
        %dma_start3A_28 = tpu.memref_slice %arg5[%dma_start3A_26, %dma_start3A_27] : memref<632x128xf32, #tpu.memory_space<hbm>> -> memref<632x128xf32, #tpu.memory_space<hbm>>
        tpu.enqueue_dma source(%dma_start3A_28 : memref<632x128xf32, #tpu.memory_space<hbm>>) target(%dma_start3A_25 : memref<632x128xf32, #tpu.memory_space<vmem_shared>>) target_semaphore(%run_scoped3A : memref<!tpu.dma_semaphore, #tpu.memory_space<semaphore_mem>>)
        %dma_wait3A = arith.constant 0 : i32
        %dma_wait3A_29 = tpu.memref_slice %arg8[%multiple_of3A, %dma_wait3A] : memref<10000x128xf32, #tpu.memory_space<vmem_shared>> -> memref<632x128xf32, #tpu.memory_space<vmem_shared>>
        %dma_wait3A_30 = arith.constant 0 : i32
        %dma_wait3A_31 = arith.constant 0 : i32
        %dma_wait3A_32 = tpu.memref_slice %arg5[%dma_wait3A_30, %dma_wait3A_31] : memref<632x128xf32, #tpu.memory_space<hbm>> -> memref<632x128xf32, #tpu.memory_space<hbm>>
        tpu.wait_dma2 semaphore(%run_scoped3A : memref<!tpu.dma_semaphore, #tpu.memory_space<semaphore_mem>>) src(%dma_wait3A_32 : memref<632x128xf32, #tpu.memory_space<hbm>>) dst(%dma_wait3A_29 : memref<632x128xf32, #tpu.memory_space<vmem_shared>>)
        tpu.yield
      }) : () -> ()
    } else {
    }
    %eq3A = arith.constant 15 : i32
    %eq3A_5 = arith.cmpi eq, %arg1, %eq3A : i32
    %convert_element_type3A_6 = arith.extui %eq3A_5 : i1 to i32
    %cond3A_7 = arith.constant 0 : i32
    %cond3A_8 = arith.cmpi ne, %convert_element_type3A_6, %cond3A_7 : i32
    scf.if %cond3A_8 {
      "tpu.region"() ({
        %run_scoped3A = tpu.sem_alloc : memref<!tpu.dma_semaphore, #tpu.memory_space<semaphore_mem>>
        %dma_start3A = arith.constant 0 : i32
        %dma_start3A_25 = tpu.memref_slice %arg8[%multiple_of3A, %dma_start3A] : memref<10000x128xf32, #tpu.memory_space<vmem_shared>> -> memref<520x128xf32, #tpu.memory_space<vmem_shared>>
        %dma_start3A_26 = arith.constant 0 : i32
        %dma_start3A_27 = arith.constant 0 : i32
        %dma_start3A_28 = tpu.memref_slice %arg5[%dma_start3A_26, %dma_start3A_27] : memref<632x128xf32, #tpu.memory_space<hbm>> -> memref<520x128xf32, #tpu.memory_space<hbm>>
        tpu.enqueue_dma source(%dma_start3A_28 : memref<520x128xf32, #tpu.memory_space<hbm>>) target(%dma_start3A_25 : memref<520x128xf32, #tpu.memory_space<vmem_shared>>) target_semaphore(%run_scoped3A : memref<!tpu.dma_semaphore, #tpu.memory_space<semaphore_mem>>)
        %dma_wait3A = arith.constant 0 : i32
        %dma_wait3A_29 = tpu.memref_slice %arg8[%multiple_of3A, %dma_wait3A] : memref<10000x128xf32, #tpu.memory_space<vmem_shared>> -> memref<520x128xf32, #tpu.memory_space<vmem_shared>>
        %dma_wait3A_30 = arith.constant 0 : i32
        %dma_wait3A_31 = arith.constant 0 : i32
        %dma_wait3A_32 = tpu.memref_slice %arg5[%dma_wait3A_30, %dma_wait3A_31] : memref<632x128xf32, #tpu.memory_space<hbm>> -> memref<520x128xf32, #tpu.memory_space<hbm>>
        tpu.wait_dma2 semaphore(%run_scoped3A : memref<!tpu.dma_semaphore, #tpu.memory_space<semaphore_mem>>) src(%dma_wait3A_32 : memref<520x128xf32, #tpu.memory_space<hbm>>) dst(%dma_wait3A_29 : memref<520x128xf32, #tpu.memory_space<vmem_shared>>)
        tpu.yield
      }) : () -> ()
    } else {
    }
    "tpu.region"() ({
      %run_scoped3A = tpu.sem_alloc : memref<!tpu.dma_semaphore, #tpu.memory_space<semaphore_mem>>
      %dma_start3A = arith.constant 0 : i32
      %dma_start3A_25 = arith.constant 0 : i32
      %dma_start3A_26 = tpu.memref_slice %arg3[%add3A, %dma_start3A, %dma_start3A_25] : memref<32x80x125xi32, #tpu.memory_space<hbm>> -> memref<1x80x125xi32, #tpu.memory_space<hbm>>
      %dma_start3A_27 = tpu.memref_squeeze %dma_start3A_26 : memref<1x80x125xi32, #tpu.memory_space<hbm>> -> memref<80x125xi32, #tpu.memory_space<hbm>>
      %dma_start3A_28 = arith.constant 0 : i32
      %dma_start3A_29 = arith.constant 0 : i32
      %dma_start3A_30 = tpu.memref_slice %arg3[%add3A, %dma_start3A_28, %dma_start3A_29] : memref<32x80x125xi32, #tpu.memory_space<hbm>> -> memref<1x80x125xi32, #tpu.memory_space<hbm>>
      %dma_start3A_31 = tpu.memref_squeeze %dma_start3A_30 : memref<1x80x125xi32, #tpu.memory_space<hbm>> -> memref<80x125xi32, #tpu.memory_space<hbm>>
      tpu.enqueue_dma source(%dma_start3A_31 : memref<80x125xi32, #tpu.memory_space<hbm>>) target(%arg9 : memref<80x125xi32, #tpu.memory_space<vmem>>) target_semaphore(%run_scoped3A : memref<!tpu.dma_semaphore, #tpu.memory_space<semaphore_mem>>)
      %dma_wait3A = arith.constant 0 : i32
      %dma_wait3A_32 = arith.constant 0 : i32
      %dma_wait3A_33 = tpu.memref_slice %arg3[%add3A, %dma_wait3A, %dma_wait3A_32] : memref<32x80x125xi32, #tpu.memory_space<hbm>> -> memref<1x80x125xi32, #tpu.memory_space<hbm>>
      %dma_wait3A_34 = tpu.memref_squeeze %dma_wait3A_33 : memref<1x80x125xi32, #tpu.memory_space<hbm>> -> memref<80x125xi32, #tpu.memory_space<hbm>>
      %dma_wait3A_35 = arith.constant 0 : i32
      %dma_wait3A_36 = arith.constant 0 : i32
      %dma_wait3A_37 = tpu.memref_slice %arg3[%add3A, %dma_wait3A_35, %dma_wait3A_36] : memref<32x80x125xi32, #tpu.memory_space<hbm>> -> memref<1x80x125xi32, #tpu.memory_space<hbm>>
      %dma_wait3A_38 = tpu.memref_squeeze %dma_wait3A_37 : memref<1x80x125xi32, #tpu.memory_space<hbm>> -> memref<80x125xi32, #tpu.memory_space<hbm>>
      tpu.wait_dma2 semaphore(%run_scoped3A : memref<!tpu.dma_semaphore, #tpu.memory_space<semaphore_mem>>) src(%dma_wait3A_38 : memref<80x125xi32, #tpu.memory_space<hbm>>) dst(%arg9 : memref<80x125xi32, #tpu.memory_space<vmem>>)
      tpu.yield
    }) : () -> ()
    "tpu.region"() ({
      %run_scoped3A = tpu.sem_alloc : memref<!tpu.dma_semaphore, #tpu.memory_space<semaphore_mem>>
      %dma_start3A = arith.constant 0 : i32
      %dma_start3A_25 = arith.constant 0 : i32
      %dma_start3A_26 = tpu.memref_slice %arg4[%add3A, %dma_start3A, %dma_start3A_25] : memref<32x80x125xi32, #tpu.memory_space<hbm>> -> memref<1x80x125xi32, #tpu.memory_space<hbm>>
      %dma_start3A_27 = tpu.memref_squeeze %dma_start3A_26 : memref<1x80x125xi32, #tpu.memory_space<hbm>> -> memref<80x125xi32, #tpu.memory_space<hbm>>
      %dma_start3A_28 = arith.constant 0 : i32
      %dma_start3A_29 = arith.constant 0 : i32
      %dma_start3A_30 = tpu.memref_slice %arg4[%add3A, %dma_start3A_28, %dma_start3A_29] : memref<32x80x125xi32, #tpu.memory_space<hbm>> -> memref<1x80x125xi32, #tpu.memory_space<hbm>>
      %dma_start3A_31 = tpu.memref_squeeze %dma_start3A_30 : memref<1x80x125xi32, #tpu.memory_space<hbm>> -> memref<80x125xi32, #tpu.memory_space<hbm>>
      tpu.enqueue_dma source(%dma_start3A_31 : memref<80x125xi32, #tpu.memory_space<hbm>>) target(%arg10 : memref<80x125xi32, #tpu.memory_space<vmem>>) target_semaphore(%run_scoped3A : memref<!tpu.dma_semaphore, #tpu.memory_space<semaphore_mem>>)
      %dma_wait3A = arith.constant 0 : i32
      %dma_wait3A_32 = arith.constant 0 : i32
      %dma_wait3A_33 = tpu.memref_slice %arg4[%add3A, %dma_wait3A, %dma_wait3A_32] : memref<32x80x125xi32, #tpu.memory_space<hbm>> -> memref<1x80x125xi32, #tpu.memory_space<hbm>>
      %dma_wait3A_34 = tpu.memref_squeeze %dma_wait3A_33 : memref<1x80x125xi32, #tpu.memory_space<hbm>> -> memref<80x125xi32, #tpu.memory_space<hbm>>
      %dma_wait3A_35 = arith.constant 0 : i32
      %dma_wait3A_36 = arith.constant 0 : i32
      %dma_wait3A_37 = tpu.memref_slice %arg4[%add3A, %dma_wait3A_35, %dma_wait3A_36] : memref<32x80x125xi32, #tpu.memory_space<hbm>> -> memref<1x80x125xi32, #tpu.memory_space<hbm>>
      %dma_wait3A_38 = tpu.memref_squeeze %dma_wait3A_37 : memref<1x80x125xi32, #tpu.memory_space<hbm>> -> memref<80x125xi32, #tpu.memory_space<hbm>>
      tpu.wait_dma2 semaphore(%run_scoped3A : memref<!tpu.dma_semaphore, #tpu.memory_space<semaphore_mem>>) src(%dma_wait3A_38 : memref<80x125xi32, #tpu.memory_space<hbm>>) dst(%arg10 : memref<80x125xi32, #tpu.memory_space<vmem>>)
      tpu.yield
    }) : () -> ()
    %barrier3A = arith.constant 0 : index
    tpu.barrier barrier_id(%barrier3A)
    %scan3A = arith.constant 0 : i32
    %scan3A_9 = arith.constant 0 : i32
    %scan3A_10 = arith.constant 80 : i32
    %scan3A_11 = arith.addi %scan3A_9, %scan3A_10 : i32
    %scan3A_12 = arith.constant 1 : i32
    scf.for %scan3A_25 = %scan3A_9 to %scan3A_11 step %scan3A_12  : i32 {
      %dma_start3A = arith.constant 0 : i32
      %dma_start3A_26 = tpu.memref_slice %arg9[%scan3A_25, %dma_start3A] : memref<80x125xi32, #tpu.memory_space<vmem>> -> memref<1x125xi32, #tpu.memory_space<vmem>>
      %dma_start3A_27 = tpu.memref_squeeze %dma_start3A_26 : memref<1x125xi32, #tpu.memory_space<vmem>> -> memref<125xi32, #tpu.memory_space<vmem>>
      %dma_start3A_28 = arith.constant 0 : i32
      %dma_start3A_29 = arith.constant 0 : i32
      %dma_start3A_30 = tpu.memref_slice %arg2[%dma_start3A_28, %dma_start3A_29] : memref<10000x128xf32, #tpu.memory_space<hbm>> -> memref<10000x128xf32, #tpu.memory_space<hbm>>
      tpu.enqueue_indirect_dma source(%dma_start3A_30 : memref<10000x128xf32, #tpu.memory_space<hbm>>) target(%arg11 : memref<125x128xf32, #tpu.memory_space<vmem>>) offsets(%dma_start3A_27 : memref<125xi32, #tpu.memory_space<vmem>>) semaphore(%arg12 : memref<!tpu.dma_semaphore, #tpu.memory_space<semaphore_mem>>)
      %dma_wait3A = arith.constant 0 : i32
      %dma_wait3A_31 = tpu.memref_slice %arg9[%scan3A_25, %dma_wait3A] : memref<80x125xi32, #tpu.memory_space<vmem>> -> memref<1x125xi32, #tpu.memory_space<vmem>>
      %dma_wait3A_32 = tpu.memref_squeeze %dma_wait3A_31 : memref<1x125xi32, #tpu.memory_space<vmem>> -> memref<125xi32, #tpu.memory_space<vmem>>
      %dma_wait3A_33 = arith.constant 0 : i32
      %dma_wait3A_34 = arith.constant 0 : i32
      %dma_wait3A_35 = tpu.memref_slice %arg2[%dma_wait3A_33, %dma_wait3A_34] : memref<10000x128xf32, #tpu.memory_space<hbm>> -> memref<10000x128xf32, #tpu.memory_space<hbm>>
      tpu.wait_indirect_dma semaphore(%arg12 : memref<!tpu.dma_semaphore, #tpu.memory_space<semaphore_mem>>) src(%dma_wait3A_35 : memref<10000x128xf32, #tpu.memory_space<hbm>>) dst(%arg11 : memref<125x128xf32, #tpu.memory_space<vmem>>)
      "tpu.region"() ({
        %run_scoped3A = tpu.sem_alloc : memref<!tpu.dma_semaphore, #tpu.memory_space<semaphore_mem>>
        %dma_start3A_36 = arith.constant 0 : i32
        %dma_start3A_37 = tpu.memref_slice %arg10[%scan3A_25, %dma_start3A_36] : memref<80x125xi32, #tpu.memory_space<vmem>> -> memref<1x125xi32, #tpu.memory_space<vmem>>
        %dma_start3A_38 = tpu.memref_squeeze %dma_start3A_37 : memref<1x125xi32, #tpu.memory_space<vmem>> -> memref<125xi32, #tpu.memory_space<vmem>>
        %dma_start3A_39 = arith.constant 0 : i32
        %dma_start3A_40 = arith.constant 0 : i32
        %dma_start3A_41 = tpu.memref_slice %arg8[%dma_start3A_39, %dma_start3A_40] : memref<10000x128xf32, #tpu.memory_space<vmem_shared>> -> memref<10000x128xf32, #tpu.memory_space<vmem_shared>>
        tpu.enqueue_indirect_dma source(%arg11 : memref<125x128xf32, #tpu.memory_space<vmem>>) target(%dma_start3A_41 : memref<10000x128xf32, #tpu.memory_space<vmem_shared>>) offsets(%dma_start3A_38 : memref<125xi32, #tpu.memory_space<vmem>>) semaphore(%run_scoped3A : memref<!tpu.dma_semaphore, #tpu.memory_space<semaphore_mem>>) {add = true}
        %dma_wait3A_42 = arith.constant 0 : i32
        %dma_wait3A_43 = tpu.memref_slice %arg10[%scan3A_25, %dma_wait3A_42] : memref<80x125xi32, #tpu.memory_space<vmem>> -> memref<1x125xi32, #tpu.memory_space<vmem>>
        %dma_wait3A_44 = tpu.memref_squeeze %dma_wait3A_43 : memref<1x125xi32, #tpu.memory_space<vmem>> -> memref<125xi32, #tpu.memory_space<vmem>>
        %dma_wait3A_45 = arith.constant 0 : i32
        %dma_wait3A_46 = arith.constant 0 : i32
        %dma_wait3A_47 = tpu.memref_slice %arg8[%dma_wait3A_45, %dma_wait3A_46] : memref<10000x128xf32, #tpu.memory_space<vmem_shared>> -> memref<10000x128xf32, #tpu.memory_space<vmem_shared>>
        tpu.wait_indirect_dma semaphore(%run_scoped3A : memref<!tpu.dma_semaphore, #tpu.memory_space<semaphore_mem>>) src(%arg11 : memref<125x128xf32, #tpu.memory_space<vmem>>) dst(%dma_wait3A_47 : memref<10000x128xf32, #tpu.memory_space<vmem_shared>>)
        tpu.yield
      }) : () -> ()
    }
    %scan3A_13 = arith.constant 80 : i32
    %barrier3A_14 = arith.constant 0 : index
    tpu.barrier barrier_id(%barrier3A_14)
    %lt3A_15 = arith.constant 15 : i32
    %lt3A_16 = arith.cmpi slt, %arg1, %lt3A_15 : i32
    %convert_element_type3A_17 = arith.extui %lt3A_16 : i1 to i32
    %cond3A_18 = arith.constant 0 : i32
    %cond3A_19 = arith.cmpi ne, %convert_element_type3A_17, %cond3A_18 : i32
    scf.if %cond3A_19 {
      "tpu.region"() ({
        %run_scoped3A = tpu.sem_alloc : memref<!tpu.dma_semaphore, #tpu.memory_space<semaphore_mem>>
        %dma_start3A = arith.constant 0 : i32
        %dma_start3A_25 = tpu.memref_slice %arg7[%arg0, %multiple_of3A, %dma_start3A] : memref<2x10000x128xf32, #tpu.memory_space<hbm>> -> memref<1x632x128xf32, #tpu.memory_space<hbm>>
        %dma_start3A_26 = tpu.memref_squeeze %dma_start3A_25 : memref<1x632x128xf32, #tpu.memory_space<hbm>> -> memref<632x128xf32, #tpu.memory_space<hbm>>
        %dma_start3A_27 = arith.constant 0 : i32
        %dma_start3A_28 = tpu.memref_slice %arg8[%multiple_of3A, %dma_start3A_27] : memref<10000x128xf32, #tpu.memory_space<vmem_shared>> -> memref<632x128xf32, #tpu.memory_space<vmem_shared>>
        tpu.enqueue_dma source(%dma_start3A_28 : memref<632x128xf32, #tpu.memory_space<vmem_shared>>) target(%dma_start3A_26 : memref<632x128xf32, #tpu.memory_space<hbm>>) target_semaphore(%run_scoped3A : memref<!tpu.dma_semaphore, #tpu.memory_space<semaphore_mem>>)
        %dma_wait3A = arith.constant 0 : i32
        %dma_wait3A_29 = tpu.memref_slice %arg7[%arg0, %multiple_of3A, %dma_wait3A] : memref<2x10000x128xf32, #tpu.memory_space<hbm>> -> memref<1x632x128xf32, #tpu.memory_space<hbm>>
        %dma_wait3A_30 = tpu.memref_squeeze %dma_wait3A_29 : memref<1x632x128xf32, #tpu.memory_space<hbm>> -> memref<632x128xf32, #tpu.memory_space<hbm>>
        %dma_wait3A_31 = arith.constant 0 : i32
        %dma_wait3A_32 = tpu.memref_slice %arg8[%multiple_of3A, %dma_wait3A_31] : memref<10000x128xf32, #tpu.memory_space<vmem_shared>> -> memref<632x128xf32, #tpu.memory_space<vmem_shared>>
        tpu.wait_dma2 semaphore(%run_scoped3A : memref<!tpu.dma_semaphore, #tpu.memory_space<semaphore_mem>>) src(%dma_wait3A_32 : memref<632x128xf32, #tpu.memory_space<vmem_shared>>) dst(%dma_wait3A_30 : memref<632x128xf32, #tpu.memory_space<hbm>>)
        tpu.yield
      }) : () -> ()
    } else {
    }
    %eq3A_20 = arith.constant 15 : i32
    %eq3A_21 = arith.cmpi eq, %arg1, %eq3A_20 : i32
    %convert_element_type3A_22 = arith.extui %eq3A_21 : i1 to i32
    %cond3A_23 = arith.constant 0 : i32
    %cond3A_24 = arith.cmpi ne, %convert_element_type3A_22, %cond3A_23 : i32
    scf.if %cond3A_24 {
      "tpu.region"() ({
        %run_scoped3A = tpu.sem_alloc : memref<!tpu.dma_semaphore, #tpu.memory_space<semaphore_mem>>
        %dma_start3A = arith.constant 0 : i32
        %dma_start3A_25 = tpu.memref_slice %arg7[%arg0, %multiple_of3A, %dma_start3A] : memref<2x10000x128xf32, #tpu.memory_space<hbm>> -> memref<1x520x128xf32, #tpu.memory_space<hbm>>
        %dma_start3A_26 = tpu.memref_squeeze %dma_start3A_25 : memref<1x520x128xf32, #tpu.memory_space<hbm>> -> memref<520x128xf32, #tpu.memory_space<hbm>>
        %dma_start3A_27 = arith.constant 0 : i32
        %dma_start3A_28 = tpu.memref_slice %arg8[%multiple_of3A, %dma_start3A_27] : memref<10000x128xf32, #tpu.memory_space<vmem_shared>> -> memref<520x128xf32, #tpu.memory_space<vmem_shared>>
        tpu.enqueue_dma source(%dma_start3A_28 : memref<520x128xf32, #tpu.memory_space<vmem_shared>>) target(%dma_start3A_26 : memref<520x128xf32, #tpu.memory_space<hbm>>) target_semaphore(%run_scoped3A : memref<!tpu.dma_semaphore, #tpu.memory_space<semaphore_mem>>)
        %dma_wait3A = arith.constant 0 : i32
        %dma_wait3A_29 = tpu.memref_slice %arg7[%arg0, %multiple_of3A, %dma_wait3A] : memref<2x10000x128xf32, #tpu.memory_space<hbm>> -> memref<1x520x128xf32, #tpu.memory_space<hbm>>
        %dma_wait3A_30 = tpu.memref_squeeze %dma_wait3A_29 : memref<1x520x128xf32, #tpu.memory_space<hbm>> -> memref<520x128xf32, #tpu.memory_space<hbm>>
        %dma_wait3A_31 = arith.constant 0 : i32
        %dma_wait3A_32 = tpu.memref_slice %arg8[%multiple_of3A, %dma_wait3A_31] : memref<10000x128xf32, #tpu.memory_space<vmem_shared>> -> memref<520x128xf32, #tpu.memory_space<vmem_shared>>
        tpu.wait_dma2 semaphore(%run_scoped3A : memref<!tpu.dma_semaphore, #tpu.memory_space<semaphore_mem>>) src(%dma_wait3A_32 : memref<520x128xf32, #tpu.memory_space<vmem_shared>>) dst(%dma_wait3A_30 : memref<520x128xf32, #tpu.memory_space<hbm>>)
        tpu.yield
      }) : () -> ()
    } else {
    }
    return
  }
}

#map = affine_map<(d0, d1) -> (0, 0)>
#map1 = affine_map<(d0, d1) -> (0, 0, 0)>
#map2 = affine_map<(d0, d1) -> (0)>
module attributes {stable_mosaic.version = 14 : i64} {
  func.func @seg_sum(%arg0: i32, %arg1: i32, %arg2: memref<10000x128xf32, #tpu.memory_space<hbm>>, %arg3: memref<32x80x125xi32, #tpu.memory_space<hbm>>, %arg4: memref<32x80x125xi32, #tpu.memory_space<hbm>>, %arg5: memref<632x128xf32, #tpu.memory_space<hbm>>, %arg6: memref<10000xf32, #tpu.memory_space<hbm>>, %arg7: memref<2x10000x128xf32, #tpu.memory_space<hbm>>, %arg8: memref<2x10000xf32, #tpu.memory_space<hbm>>, %arg9: memref<10000x128xf32, #tpu.memory_space<vmem_shared>>, %arg10: memref<80x125xi32, #tpu.memory_space<vmem>>, %arg11: memref<80x125xi32, #tpu.memory_space<vmem>>, %arg12: memref<125x128xf32, #tpu.memory_space<vmem>>, %arg13: memref<!tpu.dma_semaphore, #tpu.memory_space<semaphore_mem>>, %arg14: memref<10000xf32, #tpu.memory_space<vmem_shared>>, %arg15: memref<128xf32, #tpu.memory_space<vmem>>, %arg16: memref<!tpu.dma_semaphore, #tpu.memory_space<semaphore_mem>>) attributes {dimension_semantics = [#tpu.dimension_semantics<core_parallel>, #tpu.dimension_semantics<subcore_parallel>], iteration_bounds = array<i64: 2, 16>, scalar_prefetch = 0 : i64, scratch_operands = 8 : i64, tpu.core_type = #tpu.core_type<sc_vector_subcore>, window_params = [{transform_indices = #map}, {transform_indices = #map1}, {transform_indices = #map1}, {transform_indices = #map}, {transform_indices = #map2}, {transform_indices = #map1}, {transform_indices = #map}]} {
    %mul3A = arith.constant 2 : i32
    %mul3A_0 = arith.muli %arg1, %mul3A : i32
    %add3A = arith.addi %mul3A_0, %arg0 : i32
    %mul3A_1 = arith.constant 632 : i32
    %mul3A_2 = arith.muli %arg1, %mul3A_1 : i32
    %multiple_of3A = tpu.assume_multiple %mul3A_2, 8 : i32
    %lt3A = arith.constant 15 : i32
    %lt3A_3 = arith.cmpi slt, %arg1, %lt3A : i32
    %convert_element_type3A = arith.extui %lt3A_3 : i1 to i32
    %cond3A = arith.constant 0 : i32
    %cond3A_4 = arith.cmpi ne, %convert_element_type3A, %cond3A : i32
    scf.if %cond3A_4 {
      "tpu.region"() ({
        %run_scoped3A = tpu.sem_alloc : memref<!tpu.dma_semaphore, #tpu.memory_space<semaphore_mem>>
        %dma_start3A = arith.constant 0 : i32
        %dma_start3A_87 = tpu.memref_slice %arg9[%multiple_of3A, %dma_start3A] : memref<10000x128xf32, #tpu.memory_space<vmem_shared>> -> memref<632x128xf32, #tpu.memory_space<vmem_shared>>
        %dma_start3A_88 = arith.constant 0 : i32
        %dma_start3A_89 = arith.constant 0 : i32
        %dma_start3A_90 = tpu.memref_slice %arg5[%dma_start3A_88, %dma_start3A_89] : memref<632x128xf32, #tpu.memory_space<hbm>> -> memref<632x128xf32, #tpu.memory_space<hbm>>
        tpu.enqueue_dma source(%dma_start3A_90 : memref<632x128xf32, #tpu.memory_space<hbm>>) target(%dma_start3A_87 : memref<632x128xf32, #tpu.memory_space<vmem_shared>>) target_semaphore(%run_scoped3A : memref<!tpu.dma_semaphore, #tpu.memory_space<semaphore_mem>>)
        %dma_wait3A = arith.constant 0 : i32
        %dma_wait3A_91 = tpu.memref_slice %arg9[%multiple_of3A, %dma_wait3A] : memref<10000x128xf32, #tpu.memory_space<vmem_shared>> -> memref<632x128xf32, #tpu.memory_space<vmem_shared>>
        %dma_wait3A_92 = arith.constant 0 : i32
        %dma_wait3A_93 = arith.constant 0 : i32
        %dma_wait3A_94 = tpu.memref_slice %arg5[%dma_wait3A_92, %dma_wait3A_93] : memref<632x128xf32, #tpu.memory_space<hbm>> -> memref<632x128xf32, #tpu.memory_space<hbm>>
        tpu.wait_dma2 semaphore(%run_scoped3A : memref<!tpu.dma_semaphore, #tpu.memory_space<semaphore_mem>>) src(%dma_wait3A_94 : memref<632x128xf32, #tpu.memory_space<hbm>>) dst(%dma_wait3A_91 : memref<632x128xf32, #tpu.memory_space<vmem_shared>>)
        tpu.yield
      }) : () -> ()
    } else {
    }
    %eq3A = arith.constant 15 : i32
    %eq3A_5 = arith.cmpi eq, %arg1, %eq3A : i32
    %convert_element_type3A_6 = arith.extui %eq3A_5 : i1 to i32
    %cond3A_7 = arith.constant 0 : i32
    %cond3A_8 = arith.cmpi ne, %convert_element_type3A_6, %cond3A_7 : i32
    scf.if %cond3A_8 {
      "tpu.region"() ({
        %run_scoped3A = tpu.sem_alloc : memref<!tpu.dma_semaphore, #tpu.memory_space<semaphore_mem>>
        %dma_start3A = arith.constant 0 : i32
        %dma_start3A_87 = tpu.memref_slice %arg9[%multiple_of3A, %dma_start3A] : memref<10000x128xf32, #tpu.memory_space<vmem_shared>> -> memref<520x128xf32, #tpu.memory_space<vmem_shared>>
        %dma_start3A_88 = arith.constant 0 : i32
        %dma_start3A_89 = arith.constant 0 : i32
        %dma_start3A_90 = tpu.memref_slice %arg5[%dma_start3A_88, %dma_start3A_89] : memref<632x128xf32, #tpu.memory_space<hbm>> -> memref<520x128xf32, #tpu.memory_space<hbm>>
        tpu.enqueue_dma source(%dma_start3A_90 : memref<520x128xf32, #tpu.memory_space<hbm>>) target(%dma_start3A_87 : memref<520x128xf32, #tpu.memory_space<vmem_shared>>) target_semaphore(%run_scoped3A : memref<!tpu.dma_semaphore, #tpu.memory_space<semaphore_mem>>)
        %dma_wait3A = arith.constant 0 : i32
        %dma_wait3A_91 = tpu.memref_slice %arg9[%multiple_of3A, %dma_wait3A] : memref<10000x128xf32, #tpu.memory_space<vmem_shared>> -> memref<520x128xf32, #tpu.memory_space<vmem_shared>>
        %dma_wait3A_92 = arith.constant 0 : i32
        %dma_wait3A_93 = arith.constant 0 : i32
        %dma_wait3A_94 = tpu.memref_slice %arg5[%dma_wait3A_92, %dma_wait3A_93] : memref<632x128xf32, #tpu.memory_space<hbm>> -> memref<520x128xf32, #tpu.memory_space<hbm>>
        tpu.wait_dma2 semaphore(%run_scoped3A : memref<!tpu.dma_semaphore, #tpu.memory_space<semaphore_mem>>) src(%dma_wait3A_94 : memref<520x128xf32, #tpu.memory_space<hbm>>) dst(%dma_wait3A_91 : memref<520x128xf32, #tpu.memory_space<vmem_shared>>)
        tpu.yield
      }) : () -> ()
    } else {
    }
    %eq3A_9 = arith.constant 0 : i32
    %eq3A_10 = arith.cmpi eq, %arg1, %eq3A_9 : i32
    %convert_element_type3A_11 = arith.extui %eq3A_10 : i1 to i32
    %cond3A_12 = arith.constant 0 : i32
    %cond3A_13 = arith.cmpi ne, %convert_element_type3A_11, %cond3A_12 : i32
    scf.if %cond3A_13 {
      "tpu.region"() ({
        %run_scoped3A = tpu.sem_alloc : memref<!tpu.dma_semaphore, #tpu.memory_space<semaphore_mem>>
        tpu.enqueue_dma source(%arg6 : memref<10000xf32, #tpu.memory_space<hbm>>) target(%arg14 : memref<10000xf32, #tpu.memory_space<vmem_shared>>) target_semaphore(%run_scoped3A : memref<!tpu.dma_semaphore, #tpu.memory_space<semaphore_mem>>)
        tpu.wait_dma2 semaphore(%run_scoped3A : memref<!tpu.dma_semaphore, #tpu.memory_space<semaphore_mem>>) src(%arg6 : memref<10000xf32, #tpu.memory_space<hbm>>) dst(%arg14 : memref<10000xf32, #tpu.memory_space<vmem_shared>>)
        tpu.yield
      }) : () -> ()
    } else {
    }
    %broadcast_in_dim3A = arith.constant 1.000000e+00 : f32
    %broadcast_in_dim3A_14 = vector.broadcast %broadcast_in_dim3A : f32 to vector<16xf32>
    %swap3A = arith.constant 0 : index
    %swap3A_15 = tpu.vector_load %arg15[%swap3A] {strides = array<i32>} : memref<128xf32, #tpu.memory_space<vmem>>, vector<16xf32>,
    %swap3A_16 = vector.shape_cast %swap3A_15 : vector<16xf32> to vector<16xf32>
    %swap3A_17 = vector.shape_cast %broadcast_in_dim3A_14 : vector<16xf32> to vector<16xf32>
    tpu.vector_store %arg15[%swap3A], %swap3A_17 {strides = array<i32>} : memref<128xf32, #tpu.memory_space<vmem>>, vector<16xf32>,
    %broadcast_in_dim3A_18 = arith.constant 1.000000e+00 : f32
    %broadcast_in_dim3A_19 = vector.broadcast %broadcast_in_dim3A_18 : f32 to vector<16xf32>
    %swap3A_20 = arith.constant 16 : index
    %swap3A_21 = tpu.vector_load %arg15[%swap3A_20] {strides = array<i32>} : memref<128xf32, #tpu.memory_space<vmem>>, vector<16xf32>,
    %swap3A_22 = vector.shape_cast %swap3A_21 : vector<16xf32> to vector<16xf32>
    %swap3A_23 = vector.shape_cast %broadcast_in_dim3A_19 : vector<16xf32> to vector<16xf32>
    tpu.vector_store %arg15[%swap3A_20], %swap3A_23 {strides = array<i32>} : memref<128xf32, #tpu.memory_space<vmem>>, vector<16xf32>,
    %broadcast_in_dim3A_24 = arith.constant 1.000000e+00 : f32
    %broadcast_in_dim3A_25 = vector.broadcast %broadcast_in_dim3A_24 : f32 to vector<16xf32>
    %swap3A_26 = arith.constant 32 : index
    %swap3A_27 = tpu.vector_load %arg15[%swap3A_26] {strides = array<i32>} : memref<128xf32, #tpu.memory_space<vmem>>, vector<16xf32>,
    %swap3A_28 = vector.shape_cast %swap3A_27 : vector<16xf32> to vector<16xf32>
    %swap3A_29 = vector.shape_cast %broadcast_in_dim3A_25 : vector<16xf32> to vector<16xf32>
    tpu.vector_store %arg15[%swap3A_26], %swap3A_29 {strides = array<i32>} : memref<128xf32, #tpu.memory_space<vmem>>, vector<16xf32>,
    %broadcast_in_dim3A_30 = arith.constant 1.000000e+00 : f32
    %broadcast_in_dim3A_31 = vector.broadcast %broadcast_in_dim3A_30 : f32 to vector<16xf32>
    %swap3A_32 = arith.constant 48 : index
    %swap3A_33 = tpu.vector_load %arg15[%swap3A_32] {strides = array<i32>} : memref<128xf32, #tpu.memory_space<vmem>>, vector<16xf32>,
    %swap3A_34 = vector.shape_cast %swap3A_33 : vector<16xf32> to vector<16xf32>
    %swap3A_35 = vector.shape_cast %broadcast_in_dim3A_31 : vector<16xf32> to vector<16xf32>
    tpu.vector_store %arg15[%swap3A_32], %swap3A_35 {strides = array<i32>} : memref<128xf32, #tpu.memory_space<vmem>>, vector<16xf32>,
    %broadcast_in_dim3A_36 = arith.constant 1.000000e+00 : f32
    %broadcast_in_dim3A_37 = vector.broadcast %broadcast_in_dim3A_36 : f32 to vector<16xf32>
    %swap3A_38 = arith.constant 64 : index
    %swap3A_39 = tpu.vector_load %arg15[%swap3A_38] {strides = array<i32>} : memref<128xf32, #tpu.memory_space<vmem>>, vector<16xf32>,
    %swap3A_40 = vector.shape_cast %swap3A_39 : vector<16xf32> to vector<16xf32>
    %swap3A_41 = vector.shape_cast %broadcast_in_dim3A_37 : vector<16xf32> to vector<16xf32>
    tpu.vector_store %arg15[%swap3A_38], %swap3A_41 {strides = array<i32>} : memref<128xf32, #tpu.memory_space<vmem>>, vector<16xf32>,
    %broadcast_in_dim3A_42 = arith.constant 1.000000e+00 : f32
    %broadcast_in_dim3A_43 = vector.broadcast %broadcast_in_dim3A_42 : f32 to vector<16xf32>
    %swap3A_44 = arith.constant 80 : index
    %swap3A_45 = tpu.vector_load %arg15[%swap3A_44] {strides = array<i32>} : memref<128xf32, #tpu.memory_space<vmem>>, vector<16xf32>,
    %swap3A_46 = vector.shape_cast %swap3A_45 : vector<16xf32> to vector<16xf32>
    %swap3A_47 = vector.shape_cast %broadcast_in_dim3A_43 : vector<16xf32> to vector<16xf32>
    tpu.vector_store %arg15[%swap3A_44], %swap3A_47 {strides = array<i32>} : memref<128xf32, #tpu.memory_space<vmem>>, vector<16xf32>,
    %broadcast_in_dim3A_48 = arith.constant 1.000000e+00 : f32
    %broadcast_in_dim3A_49 = vector.broadcast %broadcast_in_dim3A_48 : f32 to vector<16xf32>
    %swap3A_50 = arith.constant 96 : index
    %swap3A_51 = tpu.vector_load %arg15[%swap3A_50] {strides = array<i32>} : memref<128xf32, #tpu.memory_space<vmem>>, vector<16xf32>,
    %swap3A_52 = vector.shape_cast %swap3A_51 : vector<16xf32> to vector<16xf32>
    %swap3A_53 = vector.shape_cast %broadcast_in_dim3A_49 : vector<16xf32> to vector<16xf32>
    tpu.vector_store %arg15[%swap3A_50], %swap3A_53 {strides = array<i32>} : memref<128xf32, #tpu.memory_space<vmem>>, vector<16xf32>,
    %broadcast_in_dim3A_54 = arith.constant 1.000000e+00 : f32
    %broadcast_in_dim3A_55 = vector.broadcast %broadcast_in_dim3A_54 : f32 to vector<16xf32>
    %swap3A_56 = arith.constant 112 : index
    %swap3A_57 = tpu.vector_load %arg15[%swap3A_56] {strides = array<i32>} : memref<128xf32, #tpu.memory_space<vmem>>, vector<16xf32>,
    %swap3A_58 = vector.shape_cast %swap3A_57 : vector<16xf32> to vector<16xf32>
    %swap3A_59 = vector.shape_cast %broadcast_in_dim3A_55 : vector<16xf32> to vector<16xf32>
    tpu.vector_store %arg15[%swap3A_56], %swap3A_59 {strides = array<i32>} : memref<128xf32, #tpu.memory_space<vmem>>, vector<16xf32>,
    "tpu.region"() ({
      %run_scoped3A = tpu.sem_alloc : memref<!tpu.dma_semaphore, #tpu.memory_space<semaphore_mem>>
      %dma_start3A = arith.constant 0 : i32
      %dma_start3A_87 = arith.constant 0 : i32
      %dma_start3A_88 = tpu.memref_slice %arg3[%add3A, %dma_start3A, %dma_start3A_87] : memref<32x80x125xi32, #tpu.memory_space<hbm>> -> memref<1x80x125xi32, #tpu.memory_space<hbm>>
      %dma_start3A_89 = tpu.memref_squeeze %dma_start3A_88 : memref<1x80x125xi32, #tpu.memory_space<hbm>> -> memref<80x125xi32, #tpu.memory_space<hbm>>
      %dma_start3A_90 = arith.constant 0 : i32
      %dma_start3A_91 = arith.constant 0 : i32
      %dma_start3A_92 = tpu.memref_slice %arg3[%add3A, %dma_start3A_90, %dma_start3A_91] : memref<32x80x125xi32, #tpu.memory_space<hbm>> -> memref<1x80x125xi32, #tpu.memory_space<hbm>>
      %dma_start3A_93 = tpu.memref_squeeze %dma_start3A_92 : memref<1x80x125xi32, #tpu.memory_space<hbm>> -> memref<80x125xi32, #tpu.memory_space<hbm>>
      tpu.enqueue_dma source(%dma_start3A_93 : memref<80x125xi32, #tpu.memory_space<hbm>>) target(%arg10 : memref<80x125xi32, #tpu.memory_space<vmem>>) target_semaphore(%run_scoped3A : memref<!tpu.dma_semaphore, #tpu.memory_space<semaphore_mem>>)
      %dma_wait3A = arith.constant 0 : i32
      %dma_wait3A_94 = arith.constant 0 : i32
      %dma_wait3A_95 = tpu.memref_slice %arg3[%add3A, %dma_wait3A, %dma_wait3A_94] : memref<32x80x125xi32, #tpu.memory_space<hbm>> -> memref<1x80x125xi32, #tpu.memory_space<hbm>>
      %dma_wait3A_96 = tpu.memref_squeeze %dma_wait3A_95 : memref<1x80x125xi32, #tpu.memory_space<hbm>> -> memref<80x125xi32, #tpu.memory_space<hbm>>
      %dma_wait3A_97 = arith.constant 0 : i32
      %dma_wait3A_98 = arith.constant 0 : i32
      %dma_wait3A_99 = tpu.memref_slice %arg3[%add3A, %dma_wait3A_97, %dma_wait3A_98] : memref<32x80x125xi32, #tpu.memory_space<hbm>> -> memref<1x80x125xi32, #tpu.memory_space<hbm>>
      %dma_wait3A_100 = tpu.memref_squeeze %dma_wait3A_99 : memref<1x80x125xi32, #tpu.memory_space<hbm>> -> memref<80x125xi32, #tpu.memory_space<hbm>>
      tpu.wait_dma2 semaphore(%run_scoped3A : memref<!tpu.dma_semaphore, #tpu.memory_space<semaphore_mem>>) src(%dma_wait3A_100 : memref<80x125xi32, #tpu.memory_space<hbm>>) dst(%arg10 : memref<80x125xi32, #tpu.memory_space<vmem>>)
      tpu.yield
    }) : () -> ()
    "tpu.region"() ({
      %run_scoped3A = tpu.sem_alloc : memref<!tpu.dma_semaphore, #tpu.memory_space<semaphore_mem>>
      %dma_start3A = arith.constant 0 : i32
      %dma_start3A_87 = arith.constant 0 : i32
      %dma_start3A_88 = tpu.memref_slice %arg4[%add3A, %dma_start3A, %dma_start3A_87] : memref<32x80x125xi32, #tpu.memory_space<hbm>> -> memref<1x80x125xi32, #tpu.memory_space<hbm>>
      %dma_start3A_89 = tpu.memref_squeeze %dma_start3A_88 : memref<1x80x125xi32, #tpu.memory_space<hbm>> -> memref<80x125xi32, #tpu.memory_space<hbm>>
      %dma_start3A_90 = arith.constant 0 : i32
      %dma_start3A_91 = arith.constant 0 : i32
      %dma_start3A_92 = tpu.memref_slice %arg4[%add3A, %dma_start3A_90, %dma_start3A_91] : memref<32x80x125xi32, #tpu.memory_space<hbm>> -> memref<1x80x125xi32, #tpu.memory_space<hbm>>
      %dma_start3A_93 = tpu.memref_squeeze %dma_start3A_92 : memref<1x80x125xi32, #tpu.memory_space<hbm>> -> memref<80x125xi32, #tpu.memory_space<hbm>>
      tpu.enqueue_dma source(%dma_start3A_93 : memref<80x125xi32, #tpu.memory_space<hbm>>) target(%arg11 : memref<80x125xi32, #tpu.memory_space<vmem>>) target_semaphore(%run_scoped3A : memref<!tpu.dma_semaphore, #tpu.memory_space<semaphore_mem>>)
      %dma_wait3A = arith.constant 0 : i32
      %dma_wait3A_94 = arith.constant 0 : i32
      %dma_wait3A_95 = tpu.memref_slice %arg4[%add3A, %dma_wait3A, %dma_wait3A_94] : memref<32x80x125xi32, #tpu.memory_space<hbm>> -> memref<1x80x125xi32, #tpu.memory_space<hbm>>
      %dma_wait3A_96 = tpu.memref_squeeze %dma_wait3A_95 : memref<1x80x125xi32, #tpu.memory_space<hbm>> -> memref<80x125xi32, #tpu.memory_space<hbm>>
      %dma_wait3A_97 = arith.constant 0 : i32
      %dma_wait3A_98 = arith.constant 0 : i32
      %dma_wait3A_99 = tpu.memref_slice %arg4[%add3A, %dma_wait3A_97, %dma_wait3A_98] : memref<32x80x125xi32, #tpu.memory_space<hbm>> -> memref<1x80x125xi32, #tpu.memory_space<hbm>>
      %dma_wait3A_100 = tpu.memref_squeeze %dma_wait3A_99 : memref<1x80x125xi32, #tpu.memory_space<hbm>> -> memref<80x125xi32, #tpu.memory_space<hbm>>
      tpu.wait_dma2 semaphore(%run_scoped3A : memref<!tpu.dma_semaphore, #tpu.memory_space<semaphore_mem>>) src(%dma_wait3A_100 : memref<80x125xi32, #tpu.memory_space<hbm>>) dst(%arg11 : memref<80x125xi32, #tpu.memory_space<vmem>>)
      tpu.yield
    }) : () -> ()
    %barrier3A = arith.constant 0 : index
    tpu.barrier barrier_id(%barrier3A)
    %scan3A = arith.constant 0 : i32
    %scan3A_60 = arith.constant 0 : i32
    %scan3A_61 = arith.constant 80 : i32
    %scan3A_62 = arith.addi %scan3A_60, %scan3A_61 : i32
    %scan3A_63 = arith.constant 1 : i32
    scf.for %scan3A_87 = %scan3A_60 to %scan3A_62 step %scan3A_63  : i32 {
      %dma_start3A = arith.constant 0 : i32
      %dma_start3A_88 = tpu.memref_slice %arg10[%scan3A_87, %dma_start3A] : memref<80x125xi32, #tpu.memory_space<vmem>> -> memref<1x125xi32, #tpu.memory_space<vmem>>
      %dma_start3A_89 = tpu.memref_squeeze %dma_start3A_88 : memref<1x125xi32, #tpu.memory_space<vmem>> -> memref<125xi32, #tpu.memory_space<vmem>>
      %dma_start3A_90 = arith.constant 0 : i32
      %dma_start3A_91 = arith.constant 0 : i32
      %dma_start3A_92 = tpu.memref_slice %arg2[%dma_start3A_90, %dma_start3A_91] : memref<10000x128xf32, #tpu.memory_space<hbm>> -> memref<10000x128xf32, #tpu.memory_space<hbm>>
      tpu.enqueue_indirect_dma source(%dma_start3A_92 : memref<10000x128xf32, #tpu.memory_space<hbm>>) target(%arg12 : memref<125x128xf32, #tpu.memory_space<vmem>>) offsets(%dma_start3A_89 : memref<125xi32, #tpu.memory_space<vmem>>) semaphore(%arg13 : memref<!tpu.dma_semaphore, #tpu.memory_space<semaphore_mem>>)
      %dma_wait3A = arith.constant 0 : i32
      %dma_wait3A_93 = tpu.memref_slice %arg10[%scan3A_87, %dma_wait3A] : memref<80x125xi32, #tpu.memory_space<vmem>> -> memref<1x125xi32, #tpu.memory_space<vmem>>
      %dma_wait3A_94 = tpu.memref_squeeze %dma_wait3A_93 : memref<1x125xi32, #tpu.memory_space<vmem>> -> memref<125xi32, #tpu.memory_space<vmem>>
      %dma_wait3A_95 = arith.constant 0 : i32
      %dma_wait3A_96 = arith.constant 0 : i32
      %dma_wait3A_97 = tpu.memref_slice %arg2[%dma_wait3A_95, %dma_wait3A_96] : memref<10000x128xf32, #tpu.memory_space<hbm>> -> memref<10000x128xf32, #tpu.memory_space<hbm>>
      tpu.wait_indirect_dma semaphore(%arg13 : memref<!tpu.dma_semaphore, #tpu.memory_space<semaphore_mem>>) src(%dma_wait3A_97 : memref<10000x128xf32, #tpu.memory_space<hbm>>) dst(%arg12 : memref<125x128xf32, #tpu.memory_space<vmem>>)
      "tpu.region"() ({
        %run_scoped3A = tpu.sem_alloc : memref<!tpu.dma_semaphore, #tpu.memory_space<semaphore_mem>>
        %dma_start3A_105 = arith.constant 0 : i32
        %dma_start3A_106 = tpu.memref_slice %arg11[%scan3A_87, %dma_start3A_105] : memref<80x125xi32, #tpu.memory_space<vmem>> -> memref<1x125xi32, #tpu.memory_space<vmem>>
        %dma_start3A_107 = tpu.memref_squeeze %dma_start3A_106 : memref<1x125xi32, #tpu.memory_space<vmem>> -> memref<125xi32, #tpu.memory_space<vmem>>
        %dma_start3A_108 = arith.constant 0 : i32
        %dma_start3A_109 = arith.constant 0 : i32
        %dma_start3A_110 = tpu.memref_slice %arg9[%dma_start3A_108, %dma_start3A_109] : memref<10000x128xf32, #tpu.memory_space<vmem_shared>> -> memref<10000x128xf32, #tpu.memory_space<vmem_shared>>
        tpu.enqueue_indirect_dma source(%arg12 : memref<125x128xf32, #tpu.memory_space<vmem>>) target(%dma_start3A_110 : memref<10000x128xf32, #tpu.memory_space<vmem_shared>>) offsets(%dma_start3A_107 : memref<125xi32, #tpu.memory_space<vmem>>) semaphore(%run_scoped3A : memref<!tpu.dma_semaphore, #tpu.memory_space<semaphore_mem>>) {add = true}
        %dma_wait3A_111 = arith.constant 0 : i32
        %dma_wait3A_112 = tpu.memref_slice %arg11[%scan3A_87, %dma_wait3A_111] : memref<80x125xi32, #tpu.memory_space<vmem>> -> memref<1x125xi32, #tpu.memory_space<vmem>>
        %dma_wait3A_113 = tpu.memref_squeeze %dma_wait3A_112 : memref<1x125xi32, #tpu.memory_space<vmem>> -> memref<125xi32, #tpu.memory_space<vmem>>
        %dma_wait3A_114 = arith.constant 0 : i32
        %dma_wait3A_115 = arith.constant 0 : i32
        %dma_wait3A_116 = tpu.memref_slice %arg9[%dma_wait3A_114, %dma_wait3A_115] : memref<10000x128xf32, #tpu.memory_space<vmem_shared>> -> memref<10000x128xf32, #tpu.memory_space<vmem_shared>>
        tpu.wait_indirect_dma semaphore(%run_scoped3A : memref<!tpu.dma_semaphore, #tpu.memory_space<semaphore_mem>>) src(%arg12 : memref<125x128xf32, #tpu.memory_space<vmem>>) dst(%dma_wait3A_116 : memref<10000x128xf32, #tpu.memory_space<vmem_shared>>)
        tpu.yield
      }) : () -> ()
      %dma_start3A_98 = arith.constant 0 : i32
      %dma_start3A_99 = tpu.memref_slice %arg15[%dma_start3A_98] : memref<128xf32, #tpu.memory_space<vmem>> -> memref<125xf32, #tpu.memory_space<vmem>>
      %dma_start3A_100 = arith.constant 0 : i32
      %dma_start3A_101 = tpu.memref_slice %arg11[%scan3A_87, %dma_start3A_100] : memref<80x125xi32, #tpu.memory_space<vmem>> -> memref<1x125xi32, #tpu.memory_space<vmem>>
      %dma_start3A_102 = tpu.memref_squeeze %dma_start3A_101 : memref<1x125xi32, #tpu.memory_space<vmem>> -> memref<125xi32, #tpu.memory_space<vmem>>
      %dma_start3A_103 = arith.constant 0 : i32
      %dma_start3A_104 = tpu.memref_slice %arg14[%dma_start3A_103] : memref<10000xf32, #tpu.memory_space<vmem_shared>> -> memref<10000xf32, #tpu.memory_space<vmem_shared>>
      tpu.enqueue_indirect_dma source(%dma_start3A_99 : memref<125xf32, #tpu.memory_space<vmem>>) target(%dma_start3A_104 : memref<10000xf32, #tpu.memory_space<vmem_shared>>) offsets(%dma_start3A_102 : memref<125xi32, #tpu.memory_space<vmem>>) semaphore(%arg16 : memref<!tpu.dma_semaphore, #tpu.memory_space<semaphore_mem>>) {add = true}
    }
    %scan3A_64 = arith.constant 80 : i32
    %scan3A_65 = arith.constant 0 : i32
    %scan3A_66 = arith.constant 0 : i32
    %scan3A_67 = arith.constant 80 : i32
    %scan3A_68 = arith.addi %scan3A_66, %scan3A_67 : i32
    %scan3A_69 = arith.constant 1 : i32
    scf.for %scan3A_87 = %scan3A_66 to %scan3A_68 step %scan3A_69  : i32 {
      %dma_wait3A = arith.constant 0 : i32
      %dma_wait3A_88 = tpu.memref_slice %arg15[%dma_wait3A] : memref<128xf32, #tpu.memory_space<vmem>> -> memref<125xf32, #tpu.memory_space<vmem>>
      %dma_wait3A_89 = arith.constant 0 : i32
      %dma_wait3A_90 = tpu.memref_slice %arg11[%scan3A_87, %dma_wait3A_89] : memref<80x125xi32, #tpu.memory_space<vmem>> -> memref<1x125xi32, #tpu.memory_space<vmem>>
      %dma_wait3A_91 = tpu.memref_squeeze %dma_wait3A_90 : memref<1x125xi32, #tpu.memory_space<vmem>> -> memref<125xi32, #tpu.memory_space<vmem>>
      %dma_wait3A_92 = arith.constant 0 : i32
      %dma_wait3A_93 = tpu.memref_slice %arg14[%dma_wait3A_92] : memref<10000xf32, #tpu.memory_space<vmem_shared>> -> memref<10000xf32, #tpu.memory_space<vmem_shared>>
      tpu.wait_indirect_dma semaphore(%arg16 : memref<!tpu.dma_semaphore, #tpu.memory_space<semaphore_mem>>) src(%dma_wait3A_88 : memref<125xf32, #tpu.memory_space<vmem>>) dst(%dma_wait3A_93 : memref<10000xf32, #tpu.memory_space<vmem_shared>>)
    }
    %scan3A_70 = arith.constant 80 : i32
    %barrier3A_71 = arith.constant 0 : index
    tpu.barrier barrier_id(%barrier3A_71)
    %lt3A_72 = arith.constant 15 : i32
    %lt3A_73 = arith.cmpi slt, %arg1, %lt3A_72 : i32
    %convert_element_type3A_74 = arith.extui %lt3A_73 : i1 to i32
    %cond3A_75 = arith.constant 0 : i32
    %cond3A_76 = arith.cmpi ne, %convert_element_type3A_74, %cond3A_75 : i32
    scf.if %cond3A_76 {
      "tpu.region"() ({
        %run_scoped3A = tpu.sem_alloc : memref<!tpu.dma_semaphore, #tpu.memory_space<semaphore_mem>>
        %dma_start3A = arith.constant 0 : i32
        %dma_start3A_87 = tpu.memref_slice %arg7[%arg0, %multiple_of3A, %dma_start3A] : memref<2x10000x128xf32, #tpu.memory_space<hbm>> -> memref<1x632x128xf32, #tpu.memory_space<hbm>>
        %dma_start3A_88 = tpu.memref_squeeze %dma_start3A_87 : memref<1x632x128xf32, #tpu.memory_space<hbm>> -> memref<632x128xf32, #tpu.memory_space<hbm>>
        %dma_start3A_89 = arith.constant 0 : i32
        %dma_start3A_90 = tpu.memref_slice %arg9[%multiple_of3A, %dma_start3A_89] : memref<10000x128xf32, #tpu.memory_space<vmem_shared>> -> memref<632x128xf32, #tpu.memory_space<vmem_shared>>
        tpu.enqueue_dma source(%dma_start3A_90 : memref<632x128xf32, #tpu.memory_space<vmem_shared>>) target(%dma_start3A_88 : memref<632x128xf32, #tpu.memory_space<hbm>>) target_semaphore(%run_scoped3A : memref<!tpu.dma_semaphore, #tpu.memory_space<semaphore_mem>>)
        %dma_wait3A = arith.constant 0 : i32
        %dma_wait3A_91 = tpu.memref_slice %arg7[%arg0, %multiple_of3A, %dma_wait3A] : memref<2x10000x128xf32, #tpu.memory_space<hbm>> -> memref<1x632x128xf32, #tpu.memory_space<hbm>>
        %dma_wait3A_92 = tpu.memref_squeeze %dma_wait3A_91 : memref<1x632x128xf32, #tpu.memory_space<hbm>> -> memref<632x128xf32, #tpu.memory_space<hbm>>
        %dma_wait3A_93 = arith.constant 0 : i32
        %dma_wait3A_94 = tpu.memref_slice %arg9[%multiple_of3A, %dma_wait3A_93] : memref<10000x128xf32, #tpu.memory_space<vmem_shared>> -> memref<632x128xf32, #tpu.memory_space<vmem_shared>>
        tpu.wait_dma2 semaphore(%run_scoped3A : memref<!tpu.dma_semaphore, #tpu.memory_space<semaphore_mem>>) src(%dma_wait3A_94 : memref<632x128xf32, #tpu.memory_space<vmem_shared>>) dst(%dma_wait3A_92 : memref<632x128xf32, #tpu.memory_space<hbm>>)
        tpu.yield
      }) : () -> ()
    } else {
    }
    %eq3A_77 = arith.constant 15 : i32
    %eq3A_78 = arith.cmpi eq, %arg1, %eq3A_77 : i32
    %convert_element_type3A_79 = arith.extui %eq3A_78 : i1 to i32
    %cond3A_80 = arith.constant 0 : i32
    %cond3A_81 = arith.cmpi ne, %convert_element_type3A_79, %cond3A_80 : i32
    scf.if %cond3A_81 {
      "tpu.region"() ({
        %run_scoped3A = tpu.sem_alloc : memref<!tpu.dma_semaphore, #tpu.memory_space<semaphore_mem>>
        %dma_start3A = arith.constant 0 : i32
        %dma_start3A_87 = tpu.memref_slice %arg7[%arg0, %multiple_of3A, %dma_start3A] : memref<2x10000x128xf32, #tpu.memory_space<hbm>> -> memref<1x520x128xf32, #tpu.memory_space<hbm>>
        %dma_start3A_88 = tpu.memref_squeeze %dma_start3A_87 : memref<1x520x128xf32, #tpu.memory_space<hbm>> -> memref<520x128xf32, #tpu.memory_space<hbm>>
        %dma_start3A_89 = arith.constant 0 : i32
        %dma_start3A_90 = tpu.memref_slice %arg9[%multiple_of3A, %dma_start3A_89] : memref<10000x128xf32, #tpu.memory_space<vmem_shared>> -> memref<520x128xf32, #tpu.memory_space<vmem_shared>>
        tpu.enqueue_dma source(%dma_start3A_90 : memref<520x128xf32, #tpu.memory_space<vmem_shared>>) target(%dma_start3A_88 : memref<520x128xf32, #tpu.memory_space<hbm>>) target_semaphore(%run_scoped3A : memref<!tpu.dma_semaphore, #tpu.memory_space<semaphore_mem>>)
        %dma_wait3A = arith.constant 0 : i32
        %dma_wait3A_91 = tpu.memref_slice %arg7[%arg0, %multiple_of3A, %dma_wait3A] : memref<2x10000x128xf32, #tpu.memory_space<hbm>> -> memref<1x520x128xf32, #tpu.memory_space<hbm>>
        %dma_wait3A_92 = tpu.memref_squeeze %dma_wait3A_91 : memref<1x520x128xf32, #tpu.memory_space<hbm>> -> memref<520x128xf32, #tpu.memory_space<hbm>>
        %dma_wait3A_93 = arith.constant 0 : i32
        %dma_wait3A_94 = tpu.memref_slice %arg9[%multiple_of3A, %dma_wait3A_93] : memref<10000x128xf32, #tpu.memory_space<vmem_shared>> -> memref<520x128xf32, #tpu.memory_space<vmem_shared>>
        tpu.wait_dma2 semaphore(%run_scoped3A : memref<!tpu.dma_semaphore, #tpu.memory_space<semaphore_mem>>) src(%dma_wait3A_94 : memref<520x128xf32, #tpu.memory_space<vmem_shared>>) dst(%dma_wait3A_92 : memref<520x128xf32, #tpu.memory_space<hbm>>)
        tpu.yield
      }) : () -> ()
    } else {
    }
    %eq3A_82 = arith.constant 0 : i32
    %eq3A_83 = arith.cmpi eq, %arg1, %eq3A_82 : i32
    %convert_element_type3A_84 = arith.extui %eq3A_83 : i1 to i32
    %cond3A_85 = arith.constant 0 : i32
    %cond3A_86 = arith.cmpi ne, %convert_element_type3A_84, %cond3A_85 : i32
    scf.if %cond3A_86 {
      "tpu.region"() ({
        %run_scoped3A = tpu.sem_alloc : memref<!tpu.dma_semaphore, #tpu.memory_space<semaphore_mem>>
        %dma_start3A = arith.constant 0 : i32
        %dma_start3A_87 = tpu.memref_slice %arg8[%arg0, %dma_start3A] : memref<2x10000xf32, #tpu.memory_space<hbm>> -> memref<1x10000xf32, #tpu.memory_space<hbm>>
        %dma_start3A_88 = tpu.memref_squeeze %dma_start3A_87 : memref<1x10000xf32, #tpu.memory_space<hbm>> -> memref<10000xf32, #tpu.memory_space<hbm>>
        tpu.enqueue_dma source(%arg14 : memref<10000xf32, #tpu.memory_space<vmem_shared>>) target(%dma_start3A_88 : memref<10000xf32, #tpu.memory_space<hbm>>) target_semaphore(%run_scoped3A : memref<!tpu.dma_semaphore, #tpu.memory_space<semaphore_mem>>)
        %dma_wait3A = arith.constant 0 : i32
        %dma_wait3A_89 = tpu.memref_slice %arg8[%arg0, %dma_wait3A] : memref<2x10000xf32, #tpu.memory_space<hbm>> -> memref<1x10000xf32, #tpu.memory_space<hbm>>
        %dma_wait3A_90 = tpu.memref_squeeze %dma_wait3A_89 : memref<1x10000xf32, #tpu.memory_space<hbm>> -> memref<10000xf32, #tpu.memory_space<hbm>>
        tpu.wait_dma2 semaphore(%run_scoped3A : memref<!tpu.dma_semaphore, #tpu.memory_space<semaphore_mem>>) src(%arg14 : memref<10000xf32, #tpu.memory_space<vmem_shared>>) dst(%dma_wait3A_90 : memref<10000xf32, #tpu.memory_space<hbm>>)
        tpu.yield
      }) : () -> ()
    } else {
    }
    return
  }
}

module attributes {stable_mosaic.version = 14 : i64} {
  func.func @_dense1_body(%arg0: memref<2x10000x128xf32, #tpu.memory_space<vmem>>, %arg1: memref<2x10000x1xf32, #tpu.memory_space<vmem>>, %arg2: memref<10000x128xf32, #tpu.memory_space<vmem>>, %arg3: memref<128x128xf32, #tpu.memory_space<vmem>>, %arg4: memref<1x128xf32, #tpu.memory_space<vmem>>, %arg5: memref<128x128xf32, #tpu.memory_space<vmem>>, %arg6: memref<1x128xf32, #tpu.memory_space<vmem>>, %arg7: memref<1x128xf32, #tpu.memory_space<vmem>>, %arg8: memref<10000x128xf32, #tpu.memory_space<vmem>>, %arg9: memref<10000x1xf32, #tpu.memory_space<vmem>>) attributes {dimension_semantics = [], scalar_prefetch = 0 : i64, scratch_operands = 0 : i64, tpu.core_type = #tpu.core_type<tc>} {
    %get3A = arith.constant 0 : index
    %get3A_0 = arith.constant 0 : index
    %get3A_1 = arith.constant 0 : index
    %get3A_2 = vector.load %arg1[%get3A, %get3A_0, %get3A_1] : memref<2x10000x1xf32, #tpu.memory_space<vmem>>, vector<1x10000x1xf32>
    %get3A_3 = vector.shape_cast %get3A_2 : vector<1x10000x1xf32> to vector<10000x1xf32>
    %get3A_4 = arith.constant 1 : index
    %get3A_5 = arith.constant 0 : index
    %get3A_6 = arith.constant 0 : index
    %get3A_7 = vector.load %arg1[%get3A_4, %get3A_5, %get3A_6] : memref<2x10000x1xf32, #tpu.memory_space<vmem>>, vector<1x10000x1xf32>
    %get3A_8 = vector.shape_cast %get3A_7 : vector<1x10000x1xf32> to vector<10000x1xf32>
    %add3A = arith.addf %get3A_3, %get3A_8 : vector<10000x1xf32>
    %max3A = arith.constant 1.000000e+00 : f32
    %max3A_9 = vector.broadcast %max3A : f32 to vector<10000x1xf32>
    %max3A_10 = arith.maximumf %add3A, %max3A_9 : vector<10000x1xf32>
    %div3A = arith.constant 1.000000e+00 : f32
    %div3A_11 = vector.broadcast %div3A : f32 to vector<10000x1xf32>
    %div3A_12 = arith.divf %div3A_11, %max3A_10 : vector<10000x1xf32>
    %get3A_13 = arith.constant 0 : index
    %get3A_14 = arith.constant 0 : index
    %get3A_15 = arith.constant 0 : index
    %get3A_16 = vector.load %arg0[%get3A_13, %get3A_14, %get3A_15] : memref<2x10000x128xf32, #tpu.memory_space<vmem>>, vector<1x10000x128xf32>
    %get3A_17 = vector.shape_cast %get3A_16 : vector<1x10000x128xf32> to vector<10000x128xf32>
    %get3A_18 = arith.constant 1 : index
    %get3A_19 = arith.constant 0 : index
    %get3A_20 = arith.constant 0 : index
    %get3A_21 = vector.load %arg0[%get3A_18, %get3A_19, %get3A_20] : memref<2x10000x128xf32, #tpu.memory_space<vmem>>, vector<1x10000x128xf32>
    %get3A_22 = vector.shape_cast %get3A_21 : vector<1x10000x128xf32> to vector<10000x128xf32>
    %add3A_23 = arith.addf %get3A_17, %get3A_22 : vector<10000x128xf32>
    %mul3A = vector.broadcast %div3A_12 : vector<10000x1xf32> to vector<10000x128xf32>
    %mul3A_24 = arith.mulf %add3A_23, %mul3A : vector<10000x128xf32>
    %get3A_25 = arith.constant 0 : index
    %get3A_26 = arith.constant 0 : index
    %get3A_27 = vector.load %arg3[%get3A_25, %get3A_26] : memref<128x128xf32, #tpu.memory_space<vmem>>, vector<128x128xf32>
    %dot_general3A = arith.constant dense<0.000000e+00> : vector<10000x128xf32>
    %dot_general3A_28 = tpu.matmul %mul3A_24, %get3A_27, %dot_general3A {dimension_numbers = #tpu.dot_dimension_numbers<[1], [0], [0], [1], [0, 0, 1, 1], [], []>, transpose_lhs_hint = false} : vector<10000x128xf32>, vector<128x128xf32>, vector<10000x128xf32> -> vector<10000x128xf32>
    %get3A_29 = arith.constant 0 : index
    %get3A_30 = arith.constant 0 : index
    %get3A_31 = vector.load %arg4[%get3A_29, %get3A_30] : memref<1x128xf32, #tpu.memory_space<vmem>>, vector<1x128xf32>
    %add3A_32 = vector.broadcast %get3A_31 : vector<1x128xf32> to vector<10000x128xf32>
    %add3A_33 = arith.addf %dot_general3A_28, %add3A_32 : vector<10000x128xf32>
    %get3A_34 = arith.constant 0 : index
    %get3A_35 = arith.constant 0 : index
    %get3A_36 = vector.load %arg2[%get3A_34, %get3A_35] : memref<10000x128xf32, #tpu.memory_space<vmem>>, vector<10000x128xf32>
    %get3A_37 = arith.constant 0 : index
    %get3A_38 = arith.constant 0 : index
    %get3A_39 = vector.load %arg5[%get3A_37, %get3A_38] : memref<128x128xf32, #tpu.memory_space<vmem>>, vector<128x128xf32>
    %dot_general3A_40 = arith.constant dense<0.000000e+00> : vector<10000x128xf32>
    %dot_general3A_41 = tpu.matmul %get3A_36, %get3A_39, %dot_general3A_40 {dimension_numbers = #tpu.dot_dimension_numbers<[1], [0], [0], [1], [0, 0, 1, 1], [], []>, transpose_lhs_hint = false} : vector<10000x128xf32>, vector<128x128xf32>, vector<10000x128xf32> -> vector<10000x128xf32>
    %add3A_42 = arith.addf %add3A_33, %dot_general3A_41 : vector<10000x128xf32>
    %reduce_sum3A = arith.constant dense<0.000000e+00> : vector<128xf32>
    %reduce_sum3A_43 = vector.multi_reduction <add>, %add3A_42, %reduce_sum3A [0] : vector<10000x128xf32> to vector<128xf32>
    %broadcast_in_dim3A = vector.shape_cast %reduce_sum3A_43 : vector<128xf32> to vector<1x128xf32>
    %div3A_44 = arith.constant 1.000000e+04 : f32
    %div3A_45 = vector.broadcast %div3A_44 : f32 to vector<1x128xf32>
    %div3A_46 = arith.divf %broadcast_in_dim3A, %div3A_45 : vector<1x128xf32>
    %sub3A = vector.broadcast %div3A_46 : vector<1x128xf32> to vector<10000x128xf32>
    %sub3A_47 = arith.subf %add3A_42, %sub3A : vector<10000x128xf32>
    %sub3A_48 = vector.broadcast %div3A_46 : vector<1x128xf32> to vector<10000x128xf32>
    %sub3A_49 = arith.subf %add3A_42, %sub3A_48 : vector<10000x128xf32>
    %mul3A_50 = arith.mulf %sub3A_47, %sub3A_49 : vector<10000x128xf32>
    %reduce_sum3A_51 = arith.constant dense<0.000000e+00> : vector<128xf32>
    %reduce_sum3A_52 = vector.multi_reduction <add>, %mul3A_50, %reduce_sum3A_51 [0] : vector<10000x128xf32> to vector<128xf32>
    %broadcast_in_dim3A_53 = vector.shape_cast %reduce_sum3A_52 : vector<128xf32> to vector<1x128xf32>
    %div3A_54 = arith.constant 1.000000e+04 : f32
    %div3A_55 = vector.broadcast %div3A_54 : f32 to vector<1x128xf32>
    %div3A_56 = arith.divf %broadcast_in_dim3A_53, %div3A_55 : vector<1x128xf32>
    %sub3A_57 = vector.broadcast %div3A_46 : vector<1x128xf32> to vector<10000x128xf32>
    %sub3A_58 = arith.subf %add3A_42, %sub3A_57 : vector<10000x128xf32>
    %add3A_59 = arith.constant 9.99999974E-6 : f32
    %add3A_60 = vector.broadcast %add3A_59 : f32 to vector<1x128xf32>
    %add3A_61 = arith.addf %div3A_56, %add3A_60 : vector<1x128xf32>
    %rsqrt3A = math.rsqrt %add3A_61 : vector<1x128xf32>
    %mul3A_62 = vector.broadcast %rsqrt3A : vector<1x128xf32> to vector<10000x128xf32>
    %mul3A_63 = arith.mulf %sub3A_58, %mul3A_62 : vector<10000x128xf32>
    %get3A_64 = arith.constant 0 : index
    %get3A_65 = arith.constant 0 : index
    %get3A_66 = vector.load %arg6[%get3A_64, %get3A_65] : memref<1x128xf32, #tpu.memory_space<vmem>>, vector<1x128xf32>
    %mul3A_67 = vector.broadcast %get3A_66 : vector<1x128xf32> to vector<10000x128xf32>
    %mul3A_68 = arith.mulf %mul3A_63, %mul3A_67 : vector<10000x128xf32>
    %get3A_69 = arith.constant 0 : index
    %get3A_70 = arith.constant 0 : index
    %get3A_71 = vector.load %arg7[%get3A_69, %get3A_70] : memref<1x128xf32, #tpu.memory_space<vmem>>, vector<1x128xf32>
    %add3A_72 = vector.broadcast %get3A_71 : vector<1x128xf32> to vector<10000x128xf32>
    %add3A_73 = arith.addf %mul3A_68, %add3A_72 : vector<10000x128xf32>
    %ge3A = arith.constant 0.000000e+00 : f32
    %ge3A_74 = vector.broadcast %ge3A : f32 to vector<10000x128xf32>
    %ge3A_75 = arith.cmpf oge, %add3A_73, %ge3A_74 : vector<10000x128xf32>
    %mul3A_76 = arith.constant 0.00999999977 : f32
    %mul3A_77 = vector.broadcast %mul3A_76 : f32 to vector<10000x128xf32>
    %mul3A_78 = arith.mulf %mul3A_77, %add3A_73 : vector<10000x128xf32>
    %select_n3A = arith.select %ge3A_75, %add3A_73, %mul3A_78 : vector<10000x128xi1>, vector<10000x128xf32>
    %swap3A = arith.constant 0 : index
    %swap3A_79 = arith.constant 0 : index
    %swap3A_80 = vector.load %arg8[%swap3A, %swap3A_79] : memref<10000x128xf32, #tpu.memory_space<vmem>>, vector<10000x128xf32>
    tpu.vector_store %arg8[%swap3A, %swap3A_79], %select_n3A {strides = array<i32>} : memref<10000x128xf32, #tpu.memory_space<vmem>>, vector<10000x128xf32>,
    %swap3A_81 = arith.constant 0 : index
    %swap3A_82 = arith.constant 0 : index
    %swap3A_83 = vector.load %arg9[%swap3A_81, %swap3A_82] : memref<10000x1xf32, #tpu.memory_space<vmem>>, vector<10000x1xf32>
    tpu.vector_store %arg9[%swap3A_81, %swap3A_82], %div3A_12 {strides = array<i32>} : memref<10000x1xf32, #tpu.memory_space<vmem>>, vector<10000x1xf32>,
    return
  }
}

module attributes {stable_mosaic.version = 14 : i64} {
  func.func @_dense2_body(%arg0: memref<2x10000x128xf32, #tpu.memory_space<vmem>>, %arg1: memref<10000x1xf32, #tpu.memory_space<vmem>>, %arg2: memref<10000x128xf32, #tpu.memory_space<vmem>>, %arg3: memref<128x128xf32, #tpu.memory_space<vmem>>, %arg4: memref<1x128xf32, #tpu.memory_space<vmem>>, %arg5: memref<128x128xf32, #tpu.memory_space<vmem>>, %arg6: memref<10000x128xf32, #tpu.memory_space<vmem>>) attributes {dimension_semantics = [], scalar_prefetch = 0 : i64, scratch_operands = 0 : i64, tpu.core_type = #tpu.core_type<tc>} {
    %get3A = arith.constant 0 : index
    %get3A_0 = arith.constant 0 : index
    %get3A_1 = arith.constant 0 : index
    %get3A_2 = vector.load %arg0[%get3A, %get3A_0, %get3A_1] : memref<2x10000x128xf32, #tpu.memory_space<vmem>>, vector<1x10000x128xf32>
    %get3A_3 = vector.shape_cast %get3A_2 : vector<1x10000x128xf32> to vector<10000x128xf32>
    %get3A_4 = arith.constant 1 : index
    %get3A_5 = arith.constant 0 : index
    %get3A_6 = arith.constant 0 : index
    %get3A_7 = vector.load %arg0[%get3A_4, %get3A_5, %get3A_6] : memref<2x10000x128xf32, #tpu.memory_space<vmem>>, vector<1x10000x128xf32>
    %get3A_8 = vector.shape_cast %get3A_7 : vector<1x10000x128xf32> to vector<10000x128xf32>
    %add3A = arith.addf %get3A_3, %get3A_8 : vector<10000x128xf32>
    %get3A_9 = arith.constant 0 : index
    %get3A_10 = arith.constant 0 : index
    %get3A_11 = vector.load %arg1[%get3A_9, %get3A_10] : memref<10000x1xf32, #tpu.memory_space<vmem>>, vector<10000x1xf32>
    %mul3A = vector.broadcast %get3A_11 : vector<10000x1xf32> to vector<10000x128xf32>
    %mul3A_12 = arith.mulf %add3A, %mul3A : vector<10000x128xf32>
    %get3A_13 = arith.constant 0 : index
    %get3A_14 = arith.constant 0 : index
    %get3A_15 = vector.load %arg3[%get3A_13, %get3A_14] : memref<128x128xf32, #tpu.memory_space<vmem>>, vector<128x128xf32>
    %dot_general3A = arith.constant dense<0.000000e+00> : vector<10000x128xf32>
    %dot_general3A_16 = tpu.matmul %mul3A_12, %get3A_15, %dot_general3A {dimension_numbers = #tpu.dot_dimension_numbers<[1], [0], [0], [1], [0, 0, 1, 1], [], []>, transpose_lhs_hint = false} : vector<10000x128xf32>, vector<128x128xf32>, vector<10000x128xf32> -> vector<10000x128xf32>
    %get3A_17 = arith.constant 0 : index
    %get3A_18 = arith.constant 0 : index
    %get3A_19 = vector.load %arg4[%get3A_17, %get3A_18] : memref<1x128xf32, #tpu.memory_space<vmem>>, vector<1x128xf32>
    %add3A_20 = vector.broadcast %get3A_19 : vector<1x128xf32> to vector<10000x128xf32>
    %add3A_21 = arith.addf %dot_general3A_16, %add3A_20 : vector<10000x128xf32>
    %get3A_22 = arith.constant 0 : index
    %get3A_23 = arith.constant 0 : index
    %get3A_24 = vector.load %arg2[%get3A_22, %get3A_23] : memref<10000x128xf32, #tpu.memory_space<vmem>>, vector<10000x128xf32>
    %get3A_25 = arith.constant 0 : index
    %get3A_26 = arith.constant 0 : index
    %get3A_27 = vector.load %arg5[%get3A_25, %get3A_26] : memref<128x128xf32, #tpu.memory_space<vmem>>, vector<128x128xf32>
    %dot_general3A_28 = arith.constant dense<0.000000e+00> : vector<10000x128xf32>
    %dot_general3A_29 = tpu.matmul %get3A_24, %get3A_27, %dot_general3A_28 {dimension_numbers = #tpu.dot_dimension_numbers<[1], [0], [0], [1], [0, 0, 1, 1], [], []>, transpose_lhs_hint = false} : vector<10000x128xf32>, vector<128x128xf32>, vector<10000x128xf32> -> vector<10000x128xf32>
    %add3A_30 = arith.addf %add3A_21, %dot_general3A_29 : vector<10000x128xf32>
    %swap3A = arith.constant 0 : index
    %swap3A_31 = arith.constant 0 : index
    %swap3A_32 = vector.load %arg6[%swap3A, %swap3A_31] : memref<10000x128xf32, #tpu.memory_space<vmem>>, vector<10000x128xf32>
    tpu.vector_store %arg6[%swap3A, %swap3A_31], %add3A_30 {strides = array<i32>} : memref<10000x128xf32, #tpu.memory_space<vmem>>, vector<10000x128xf32>,
    return
  }
}

</mosaic_0001>

<sc_bundles>
// kernel: kernel.6.cloned.1.call-start
scs
__scs_entry_jumppad:
0x0: {  	(pc) =	sbr.rel $0x88, $3  }
0x1: {  	(tag) =	ssettag $0x0;
	lr =	simm.s32 $0x1  }
0x2: {  	[smem:$0x3F97] =	sst lr;
	_ =	strace $0xD0000000  }
0x3: {  	_ = 	snop  }
0x4: {  	_ = 	snop  }
0x5: {  	_ = 	snop  }
0x6: {  	_ = 	snop  }
0x7: {  	_ = 	snop  }
__scs_overlays_trampoline_lowered:
0x8: {  	[smem:$0x3FA6] =	sst s0  }
0x9: {  	[smem:$0x3FA7] =	sst s1  }
0xa: {  	[smem:$0x3FA8] =	sst s2  }
0xb: {  	[smem:$0x3FA9] =	sst s3  }
0xc: {  	[smem:$0x3FAA] =	sst s4  }
0xd: {  	[smem:$0x3FAB] =	sst s5  }
0xe: {  	[smem:$0x3FAC] =	sst s6  }
0xf: {  	[smem:$0x3FAD] =	sst s7  }
0x10: {  	[smem:$0x3FAE] =	sst s8  }
0x11: {  	[smem:$0x3FAF] =	sst s9;
	s0 =	simm.s32 @!p0 $0x0  }
0x12: {  	s1 =	sld [smem:$0x3F95];
	s0 =	simm.s32 @p0 $0x1  }
0x13: {  	[smem:$0x3FB0] =	sst s0;
	s0 =	simm.s32 @!p1 $0x0  }
0x14: {  	s2 =	sld [smem:$0x3F94];
	s0 =	simm.s32 @p1 $0x1  }
0x15: {  	[smem:$0x3FB1] =	sst s0;
	s0 =	simm.s32 @!p2 $0x0  }
0x16: {  	s3 =	sld [smem:$0x3FDB];
	s0 =	simm.s32 @p2 $0x1  }
0x17: {  	s4 =	simm.s32 $0x1BF5;
	[smem:$0x3FB3] =	sst s0  }
0x18: {  	s0 =	sld [smem:$0x3F96];
	_ =	swait.ge [sflag:s4], $0x0  }
0x19: {  	s7 =	sld [smem:$0x3F97]  }
0x1a: {  	s8 =	sadd.s32 $0xFFFFE003, lr  }
0x1b: {  	s9 =	sadd.s32 $0xFFFFFEF7, lr;
	s5 =	simm.s32 $0xFFFFFFFF;
	p2 =	slt.u32 s8, $0xFFFFF086  }
0x1c: {  	p1 =	slt.u32 s9, $0xF7A;
	s5 =	simm.s32 @!p2 $0x0  }
0x1d: {  	s5 =	simm.s32 @p1 $0x1;
	p0 =	seq.s32 s7, s2  }
0x1e: {  	s7 =	smul.u32 @!p0 $0xF7A, s2;
	p2 =	seq.s32 @!p0 s5, $0x0  }
0x1f: {  	s9 =	smul.u32 $0xF7A, s1;
	s8 =	simm.s32 @!p0 $0x1BF5;
	p2 =	por !p2, p0  }
0x20: {  	[sflag:s8] =	ssyncset.s32 @!p0 $0xFFFFF086;
	s6 =	sadd.s32 @!p0 s3, s7;
	s7 =	simm.s32 @!p0 $0x108  }
0x21: {  	s3 =	sadd.s32 s3, s9;
	s6 =	sadd.s32 @!p0 $0x88, s6;
	s7 =	simm.s32 @p2 $0x1082  }
0x22: {  	[simem:s7], [sflag:s8] =	dma.local @!p0 [hbm:s6], $0xF7A  }
0x23: {  	s9 =	sor.u32 $0xD0000000, s2;
	s6 =	simm.s32 $0x108;
	_ =	swait.ge @!p0 [sflag:s8], $0x0  }
0x24: {  	s3 =	sadd.s32 $0x88, s3;
	s6 =	simm.s32 @!p1 $0x1082;
	[sflag:s4] =	ssyncset.s32 $0xFFFFF086  }
0x25: {  	[simem:s6], [sflag:s4] =	dma.local [hbm:s3], $0xF7A  }
0x26: {  	[smem:$0x3F97] =	sst s1;
	(tag) =	ssettag s2;
	_ =	strace s9  }
0x27: {  	s1 =	sld [smem:$0x3FA7]  }
0x28: {  	s2 =	sld [smem:$0x3FA8]  }
0x29: {  	s4 =	sld [smem:$0x3FAA]  }
0x2a: {  	p0 =	seq.s32 s5, $0x0;
	s5 =	sld [smem:$0x3FAB]  }
0x2b: {  	s6 =	sld [smem:$0x3FAC]  }
0x2c: {  	s7 =	sld [smem:$0x3FAD]  }
0x2d: {  	s3 =	simm.s32 $0x108;
	s8 =	sld [smem:$0x3FAE]  }
0x2e: {  	s3 =	simm.s32 @!p0 $0x1082;
	s9 =	sld [smem:$0x3FAF]  }
0x2f: {  	lr =	sadd.s32 s0, s3;
	s0 =	sld [smem:$0x3FA6]  }
0x30: {  	s3 =	sld [smem:$0x3FA9]  }
0x31: {  	[smem:$0x3FB2] =	sst s10  }
0x32: {  	s10 =	sld [smem:$0x3FB0];
	_ =	sdelay $0x3  }
0x33: {  	p0 =	seq.s32 s10, $0x1;
	s10 =	sld [smem:$0x3FB2];
	_ =	sdelay $0x3  }
0x34: {  	[smem:$0x3FB2] =	sst s10  }
0x35: {  	s10 =	sld [smem:$0x3FB1];
	_ =	sdelay $0x3  }
0x36: {  	p1 =	seq.s32 s10, $0x1;
	s10 =	sld [smem:$0x3FB2];
	_ =	sdelay $0x3  }
0x37: {  	[smem:$0x3FB2] =	sst s10  }
0x38: {  	s10 =	sld [smem:$0x3FB3]  }
0x39: {  	_ = 	snop;
	(pc) =	sbr.ind lr, $3  }
0x3a: {  	_ = 	snop  }
0x3b: {  	_ = 	snop  }
0x3c: {  	p2 =	seq.s32 s10, $0x1;
	s10 =	sld [smem:$0x3FB2]  }
0x3d: {  	_ =	shalt  }
0x3e: {  	_ =	shalt  }
0x3f: {  	_ =	shalt  }
0x40: {  	_ =	shalt  }
0x41: {  	_ =	shalt  }
0x42: {  	_ =	shalt  }
0x43: {  	_ =	shalt  }
0x44: {  	_ =	shalt  }
0x45: {  	_ =	shalt  }
0x46: {  	_ =	shalt  }
0x47: {  	_ =	shalt  }
0x48: {  	_ =	shalt  }
0x49: {  	_ =	shalt  }
0x4a: {  	_ =	shalt  }
0x4b: {  	_ =	shalt  }
0x4c: {  	_ =	shalt  }
0x4d: {  	_ =	shalt  }
0x4e: {  	_ =	shalt  }
0x4f: {  	_ =	shalt  }
0x50: {  	_ =	shalt  }
0x51: {  	_ =	shalt  }
0x52: {  	_ =	shalt  }
0x53: {  	_ =	shalt  }
0x54: {  	_ =	shalt  }
0x55: {  	_ =	shalt  }
0x56: {  	_ =	shalt  }
0x57: {  	_ =	shalt  }
0x58: {  	_ =	shalt  }
0x59: {  	_ =	shalt  }
0x5a: {  	_ =	shalt  }
0x5b: {  	_ =	shalt  }
0x5c: {  	_ =	shalt  }
0x5d: {  	_ =	shalt  }
0x5e: {  	_ =	shalt  }
0x5f: {  	_ =	shalt  }
0x60: {  	_ =	shalt  }
0x61: {  	_ =	shalt  }
0x62: {  	_ =	shalt  }
0x63: {  	_ =	shalt  }
0x64: {  	_ =	shalt  }
0x65: {  	_ =	shalt  }
0x66: {  	_ =	shalt  }
0x67: {  	_ =	shalt  }
0x68: {  	_ =	shalt  }
0x69: {  	_ =	shalt  }
0x6a: {  	_ =	shalt  }
0x6b: {  	_ =	shalt  }
0x6c: {  	_ =	shalt  }
0x6d: {  	_ =	shalt  }
0x6e: {  	_ =	shalt  }
0x6f: {  	_ =	shalt  }
0x70: {  	_ =	shalt  }
0x71: {  	_ =	shalt  }
0x72: {  	_ =	shalt  }
0x73: {  	_ =	shalt  }
0x74: {  	_ =	shalt  }
0x75: {  	_ =	shalt  }
0x76: {  	_ =	shalt  }
0x77: {  	_ =	shalt  }
0x78: {  	_ =	shalt  }
0x79: {  	_ =	shalt  }
0x7a: {  	_ =	shalt  }
0x7b: {  	_ =	shalt  }
0x7c: {  	_ =	shalt  }
0x7d: {  	_ =	shalt  }
0x7e: {  	_ =	shalt  }
0x7f: {  	_ =	shalt  }
0x80: {  	_ =	shalt  }
0x81: {  	_ =	shalt  }
0x82: {  	_ =	shalt  }
0x83: {  	_ =	shalt  }
0x84: {  	_ =	shalt  }
0x85: {  	_ =	shalt  }
0x86: {  	_ =	shalt  }
0x87: {  	_ =	shalt  }
.Lfunc_end0:
.L_simem_size_0:
called_computation_lowered:
.L_overlay_start_0:
0x88: {  	s2 =	sld [smem:$0x3FD9]  }
0x89: {  	s3 =	sld [smem:$0x3FFE];
	_ =	sdelay $0x1  }
0x8a: {  	s1 =	srdreg.scid  }
0x8b: {  	s0 =	sand.u32 $0x1, s1  }
0x8c: {  	s17 =	sshll.u32 s0, $0xA;
	s2 =	sadd.s32 s3, s2  }
0x8d: {  	s2 =	sadd.s32 s2, s17  }
0x8e: {  	[smem:$0x3FBE] =	sst s2  }
0x8f: {  	_ = 	snop  }
0x90: {  	s2 =	sld [smem:$0x3FC9]  }
0x91: {  	s18 =	sld [smem:$0x3FD0];
	(tm) =	ssettm $0x1  }
0x92: {  	s4 =	sld [smem:$0x3FFB];
	_ =	sdelay $0x3  }
0x93: {  	_ =	strace s4  }
0x94: {  	s4 =	sld [smem:$0x3FFC];
	_ =	sdelay $0x3  }
0x95: {  	_ =	strace s4  }
0x96: {  	s4 =	sld [smem:$0x3FFD];
	_ =	sdelay $0x3  }
0x97: {  	_ =	strace s4  }
0x98: {  	_ =	strace $0x8FFFFFFF  }
0x99: {  	s19 =	sld [smem:$0x3FDB];
	_ =	sdelay $0x1  }
0x9a: {  	s5 =	simm.s32 $_scs_section_size  }
0x9b: {  	s6 =	simm.s32 $_size__tile_overlayer_lowered;
	s7 =	simm.s32 $_tile_overlayer_lowered  }
0x9c: {  	s22 =	simm.s32 $0x1BFF;
	s21 =	sshll.u32 s7, $0x1;
	s4 =	sadd.s32 s5, s19  }
0x9d: {  	s8 =	simm.s32 $0x0;
	s20 =	sshll.u32 s6, $0x1;
	s6 =	sadd.s32 s21, s4  }
0x9e: {  	[timem:s8], [sflag:s22] =	dma.local [hbm:s6], s20  }
0x9f: {  	_ =	swait.ge [sflag:s22], s20  }
0xa0: {  	s5 =	ssub.s32 $0x0, s20;
	[sflag:s22] =	ssyncset.done $0x0  }
0xa1: {  	[sflag:s22] =	ssyncadd.s32 s5;
	_ =	sdelay $0x1  }
0xa2: {  	s23 =	simm.s32 $0x1B8B  }
0xa3: {  	_ =	swait.ge [sflag:s23], $0x1  }
0xa4: {  	[sflag:s23] =	ssyncset.done $0x0  }
0xa5: {  	s25 =	simm.s32 $0x1B8E;
	s24 =	sld [smem:$0x3FFE];
	[sflag:s23] =	ssyncadd.s32 $0xFFFFFFFF  }
0xa6: {  	s26 =	simm.s32 $execute0_lowered;
	[smem:$0x3FD2] =	sst s25  }
0xa7: {  	s6 =	sshll.u32 s26, $0x1;
	_ =	strace $0x80000046;
	[dreg:$0x1] =	wrdreg $0xFFFFFFFF  }
0xa8: {  	s28 =	simm.s32 $_size_execute0_lowered;
	s4 =	sadd.s32 s4, s6;
	[dreg:$0x0] =	wrdreg $0x0  }
0xa9: {  	s6 =	sshll.u32 s28, $0x1;
	[dreg:$0x2] =	wrdreg s4  }
0xaa: {  	[dreg:$0x3] =	wrdreg s6  }
0xab: {  	[dreg:$0x4] =	wrdreg $0xC0  }
0xac: {  	_ =	task [dreg:s8], $0x5FFFF  }
0xad: {  	[dreg:$0x1] =	wrdreg $0xFFFFFFFF  }
0xae: {  	[dreg:$0x0] =	wrdreg $0x60  }
0xaf: {  	[dreg:$0x2] =	wrdreg s2  }
0xb0: {  	[dreg:$0x3] =	wrdreg s24  }
0xb1: {  	[dreg:$0x4] =	wrdreg s18  }
0xb2: {  	[dreg:$0x5] =	wrdreg $0x0  }
0xb3: {  	[dreg:$0x6] =	wrdreg $0x1C8800  }
0xb4: {  	[dreg:$0x7] =	wrdreg $0x9  }
0xb5: {  	_ =	task.clear_ibuf [dreg:s8], $0x8FFFF;
	_ =	strace $0x90000046  }
0xb6: {  	s29 =	simm.s32 $0x9;
	_ =	strace $0x80000048  }
0xb7: {  	_ =	swait.ge [sflag:s29], $0x1  }
0xb8: {  	[sflag:s29] =	ssyncadd.s32 $0xFFFFFFFF  }
0xb9: {  	_ =	strace $0x90000048  }
0xba: {  	_ =	sfence  }
0xbb: {  	s30 =	sld [smem:$0x0];
	_ =	sdelay $0x2  }
0xbc: {  	s31 =	sshll.u32 s1, $0xD;
	s1 =	sshrl.u32 s1, $0x2  }
0xbd: {  	s3 =	sand.u32 $0x4000, s31;
	s1 =	sadd.s32 s1, s30  }
0xbe: {  	s0 =	sor.u32 s3, s0;
	s1 =	sshll.u32 s1, $0x11  }
0xbf: {  	s0 =	sor.u32 s1, s0  }
0xc0: {  	s0 =	sadd.s32 $0x8F2B, s0  }
0xc1: {  	[sflag:s0] =	ssyncadd.remote.s32 $0x1  }
0xc2: {  	_ =	sfence.sel $0xFFFF  }
0xc3: {  	[dreg:$0x0] =	wrdreg $0xFFFFFFFF;
	(pc) =	sbr.abs _section_cstart, $3  }
0xc4: {  	[dreg:$0x1] =	wrdreg $0xFFFFFFFF  }
0xc5: {  	_ =	task.clear_ibuf [dreg:s8], $0x2FFFF;
	_ =	strace $0x9FFFFFFF  }
0xc6: {  	(tm) =	ssettm $0x7FFFFFFF  }
0xc7: {  	_ =	shalt  }
tec
execute0_lowered:
.L_overlay_start_1:
0x0: {  	(tag) =	ssettag $0x1  }
0x1: {  	s0 =	rddreg [dreg:$0x0]  }
0x2: {  	s2 =	rddreg [dreg:$0x1]  }
0x3: {  	s14 =	rddreg [dreg:$0x2]  }
0x4: {  	s3 =	rddreg [dreg:$0x3];
	s5 =	srdreg.scid  }
0x5: {  	s1 =	stileid.u32;
	s4 =	rddreg [dreg:$0x4]  }
0x6: {  	s21 =	simm.s32 $0x3;
	s23 =	simm.s32 $0x7D;
	s24 =	simm.s32 $0x18880  }
0x7: {  	s25 =	simm.s32 $0x1;
	s26 =	simm.s32 $0x1CAF8;
	s28 =	simm.s32 $0x2  }
0x8: {  	s29 =	simm.s32 $0x0;
	s13 =	sand.u32 $0x1, s5;
	s6 =	sshll.u32 s1, $0x1  }
0x9: {  	s5 =	simm.s32 $0x0;
	s8 =	smul.u32 $0x4F000, s1;
	s7 =	sadd.s32 $0x19200, s2  }
0xa: {  	s10 =	smul.u32 $0x13C00, s1;
	p0 =	sne.s32 s1, $0xF;
	p3 =	seq.s32 s1, $0xF  }
0xb: {  	s6 =	sor.u32 s13, s6;
	[smem:$0x7FF] =	sst s5;
	s15 =	smul.u32 $0x138800, s13  }
0xc: {  	s9 =	ssub.s32 $0x2, s13;
	s31 =	sshll.u32 s13, $0x4;
	p2 =	sne.s32 @p0 s1, $0x0  }
0xd: {  	s6 =	smul.u32 $0x500, s6;
	_ =	strace $0x80000047;
	s12 =	sshrl.u32 s9, $0x1  }
0xe: {  	s8 =	sshrl.u32 s8, $0x2;
	s14 =	sadd.s32 s14, s31;
	p1 =	por p2, !p0  }
0xf: {  	p2 =	por !p2, !p0;
	s16 =	ssub.s32 s9, s12;
	s8 =	sadd.s32 s8, s3  }
0x10: {  	s30 =	sadd.s32 s10, s15;
	s9 =	sadd.s32 $0x128400, s3;
	s15 =	sshrl.u32 s15, $0x3  }
0x11: {  	s18 =	sshrl.u32 @!p1 s4, $0x3;
	s11 =	sadd.s32 s6, s2;
	s6 =	sadd.s32 $0x16A00, s2  }
0x12: {  	s2 =	sadd.s32 $0x19800, s2;
	s12 =	sshrl.u32 s30, $0x3;
	s17 =	sshrl.u32 @p0 s8, $0x3  }
0x13: {  	s19 =	sshrl.u32 @!p0 s9, $0x3;
	s12 =	sadd.s32 s2, s12;
	s2 =	sadd.s32 s2, s15  }
0x14: {  	s10 =	sadd.s32 $0x2A00, s11;
	s13 =	sadd.s32 $0x25080, s2;
	s2 =	sshll.u32 @p0 s1, $0x6  }
0x15: {  	v0 =	vimm.f32 $1.000000000e+00;
	s11 =	sadd.s32 $0xCA00, s11;
	s15 =	smax.u32 s16, $0x1;
	s16 =	sor.u32 @p0 $0x1C03, s2  }
.LBB2_1:
0x16: {  	[spmem:s17], [sflag:s16] =	dma.local @p0 [hbm:s6], $0x2780  }
0x17: {  	s2 =	simm.s32 @p0 $0x3  }
0x18: {  	_ =	swait.ge @p0 [sflag:s2], $0x2780  }
0x19: {  	[sflag:s2] =	ssyncset.done @p0 $0x0  }
0x1a: {  	[sflag:s2] =	ssyncadd.s32 @p0 $0xFFFFD880;
	s2 =	simm.s32 @!p1 $0x1C03  }
0x1b: {  	[spmem:s18], [sflag:s2] =	dma.local @!p1 [hbm:s7], $0x4F0  }
0x1c: {  	s2 =	simm.s32 @!p1 $0x3  }
0x1d: {  	_ =	swait.ge @!p1 [sflag:s2], $0x4F0  }
0x1e: {  	[sflag:s2] =	ssyncset.done @!p1 $0x0  }
0x1f: {  	[sflag:s2] =	ssyncadd.s32 @!p1 $0xFFFFFB10;
	s2 =	simm.s32 @!p0 $0x1FC3  }
0x20: {  	[spmem:s19], [sflag:s2] =	dma.local @!p0 [hbm:s6], $0x2080  }
0x21: {  	s2 =	simm.s32 @!p0 $0x3  }
0x22: {  	_ =	swait.ge @!p0 [sflag:s2], $0x2080  }
0x23: {  	[sflag:s2] =	ssyncset.done @!p0 $0x0  }
0x24: {  	[sflag:s2] =	ssyncadd.s32 @!p0 $0xFFFFDF80  }
0x25: {  	[tilespmem:$0x1CAF8] =	vst v0  }
0x26: {  	[tilespmem:$0x1CB08] =	vst v0  }
0x27: {  	[tilespmem:$0x1CB18] =	vst v0  }
0x28: {  	[tilespmem:$0x1CB28] =	vst v0  }
0x29: {  	[tilespmem:$0x1CB38] =	vst v0  }
0x2a: {  	[tilespmem:$0x1CB48] =	vst v0  }
0x2b: {  	[tilespmem:$0x1CB58] =	vst v0  }
0x2c: {  	s22 =	simm.s32 $0x13880;
	[tilespmem:$0x1CB68] =	vst v0  }
0x2d: {  	[tilespmem:s22], [sflag:$0x3] =	stream.linear.gather [hbm4b:s10+s5], $0x2800, $0x38;
	[tilespmem:$0x1CB78] =	vst v63  }
0x2e: {  	_ =	swait.ge [sflag:s21], $0x2800  }
0x2f: {  	[sflag:s21] =	ssyncset.done $0x0  }
0x30: {  	s20 =	simm.s32 $0x16080;
	[sflag:s21] =	ssyncadd.s32 $0xFFFFD800  }
0x31: {  	[tilespmem:s20], [sflag:$0x3] =	stream.linear.gather [hbm4b:s11+s5], $0x2800, $0x38;
	[tilespmem:$0x1CB78] =	vst v63  }
0x32: {  	_ =	swait.ge [sflag:s21], $0x2800  }
0x33: {  	[sflag:s21] =	ssyncset.done $0x0  }
0x34: {  	[sflag:s21] =	ssyncadd.s32 $0xFFFFD800  }
0x35: {  	s22 =	simm.s32 $0x13880;
	[bflag:$0x0] =	sbarrier.arrive $0xFFFF  }
0x36: {  	[tilespmem:s24], [sflag:$0x1] =	stream.indirect.gather [hbm4b:s0+s23], $0x80, s22, s23, $0xb8;
	[tilespmem:$0x1CB78] =	vst v63  }
0x37: {  	_ =	swait.ge [sflag:s25], $0x3E80  }
0x38: {  	[sflag:s25] =	ssyncset.done $0x0  }
0x39: {  	p5 =	por @p0 $0x0, $0x0;
	s31 =	simm.s32 $0x16080;
	[sflag:s25] =	ssyncadd.s32 $0xFFFFC180  }
0x3a: {  	[spmem:s3] =	stream.indirect.scatter.add.f32 [tilespmem:s24], [sflag:$0x3], $0x80, s31, s23, $0xb8;
	[tilespmem:$0x1CB78] =	vst v63  }
0x3b: {  	p4 =	por @!p1 $0x1, $0x1;
	s30 =	simm.s32 $0x80;
	_ =	swait.ge [sflag:s21], $0x3E80  }
0x3c: {  	p4 =	por @!p2 p5, p5;
	p5 =	por @!p0 $0x0, $0x0;
	[sflag:s21] =	ssyncset.done $0x0  }
0x3d: {  	p4 =	por @!p0 p5, p5;
	s2 =	simm.s32 $0x400;
	[sflag:s21] =	ssyncadd.s32 $0xFFFFC180  }
.LBB2_2:
0x3e: {  	[spmem:s4] =	stream.indirect.scatter.add.f32 [tilespmem:s26], [sflag:$0x2], $0x1, s31, s23, $0xb8;
	[tilespmem:$0x1CB78] =	vst v63  }
0x3f: {  	s31 =	smov.u32 s2  }
0x40: {  	s22 =	sadd.s32 $0x200, s2;
	s20 =	sshra.s32 s31, $0x2;
	s31 =	sadd.s32 $0x13880, s30  }
0x41: {  	[tilespmem:s24], [sflag:$0x1] =	stream.indirect.gather [hbm4b:s0+s23], $0x80, s31, s23, $0xb8;
	[tilespmem:$0x1CB78] =	vst v63  }
0x42: {  	p5 =	sne.s32 s2, $0x9E00;
	_ =	swait.ge [sflag:s25], $0x3E80  }
0x43: {  	[sflag:s25] =	ssyncset.done $0x0  }
.Ltmp0:
0x44: {  	s31 =	sadd.s32 $0x16080, s30;
	[sflag:s25] =	ssyncadd.s32 $0xFFFFC180;
	(pc) =	sbr.rel @p5 .LBB2_2-.Ltmp0, $4  }
0x45: {  	[spmem:s3] =	stream.indirect.scatter.add.f32 [tilespmem:s24], [sflag:$0x3], $0x80, s31, s23, $0xb8;
	[tilespmem:$0x1CB78] =	vst v63  }
0x46: {  	s30 =	smov.u32 s20;
	_ =	swait.ge [sflag:s21], $0x3E80  }
0x47: {  	[sflag:s21] =	ssyncset.done $0x0  }
0x48: {  	s2 =	smov.u32 s22;
	[sflag:s21] =	ssyncadd.s32 $0xFFFFC180  }
0x49: {  	[spmem:s4] =	stream.indirect.scatter.add.f32 [tilespmem:s26], [sflag:$0x2], $0x1, s31, s23, $0xb8;
	[tilespmem:$0x1CB78] =	vst v63  }
0x4a: {  	s2 =	sadd.s32 $0x13880, s30  }
0x4b: {  	[tilespmem:s24], [sflag:$0x1] =	stream.indirect.gather [hbm4b:s0+s23], $0x80, s2, s23, $0xb8;
	[tilespmem:$0x1CB78] =	vst v63  }
0x4c: {  	_ =	swait.ge [sflag:s25], $0x3E80  }
0x4d: {  	[sflag:s25] =	ssyncset.done $0x0  }
0x4e: {  	s31 =	sadd.s32 $0x16080, s30;
	[sflag:s25] =	ssyncadd.s32 $0xFFFFC180  }
0x4f: {  	[spmem:s3] =	stream.indirect.scatter.add.f32 [tilespmem:s24], [sflag:$0x3], $0x80, s31, s23, $0xb8;
	[tilespmem:$0x1CB78] =	vst v63  }
0x50: {  	_ =	swait.ge [sflag:s21], $0x3E80  }
0x51: {  	[sflag:s21] =	ssyncset.done $0x0  }
0x52: {  	[sflag:s21] =	ssyncadd.s32 $0xFFFFC180  }
0x53: {  	[spmem:s4] =	stream.indirect.scatter.add.f32 [tilespmem:s26], [sflag:$0x2], $0x1, s31, s23, $0xb8;
	[tilespmem:$0x1CB78] =	vst v63  }
0x54: {  	_ =	swait.ge [sflag:s28], $0x7D  }
0x55: {  	s30 =	simm.s32 $0x4F;
	[sflag:s28] =	ssyncset.done $0x0  }
.LBB2_4:
0x56: {  	p5 =	sne.s32 s30, $0x1;
	s30 =	sadd.s32 $0xFFFFFFFF, s30;
	[sflag:s28] =	ssyncadd.s32 $0xFFFFFF83  }
.Ltmp1:
0x57: {  	(pc) =	sbr.rel @p5 .LBB2_4-.Ltmp1, $3  }
0x58: {  	_ =	sdelay $0x1  }
0x59: {  	_ =	swait.ge [sflag:s28], $0x7D  }
0x5a: {  	[sflag:s28] =	ssyncset.done $0x0  }
0x5b: {  	[sflag:s28] =	ssyncadd.s32 $0xFFFFFF83  }
0x5c: {  	s2 =	sshrl.u32 @p3 s9, $0x3;
	s20 =	simm.s32 @p3 $0x1FC3;
	[bflag:$0x0] =	sbarrier.arrive $0xFFFF  }
0x5d: {  	[hbm:s13], [sflag:s20] =	dma.local @p3 [spmem:s2], $0x2080  }
0x5e: {  	s2 =	simm.s32 @p3 $0x3  }
0x5f: {  	_ =	swait.ge @p3 [sflag:s2], $0x2080  }
0x60: {  	s20 =	sshll.u32 @!p3 s1, $0x6;
	[sflag:s2] =	ssyncset.done @p3 $0x0  }
0x61: {  	[sflag:s2] =	ssyncadd.s32 @p3 $0xFFFFDF80;
	s2 =	sor.u32 @!p3 $0x1C03, s20;
	s20 =	sshrl.u32 @!p3 s8, $0x3  }
0x62: {  	[hbm:s12], [sflag:s2] =	dma.local @!p3 [spmem:s20], $0x2780  }
0x63: {  	s22 =	simm.s32 @p4 $0x1;
	s30 =	simm.s32 @p4 $0x20;
	s2 =	simm.s32 @!p3 $0x3  }
0x64: {  	s31 =	simm.s32 @p4 $0x10;
	s29 =	sadd.s32 $0x1, s29;
	_ =	swait.ge @!p3 [sflag:s2], $0x2780  }
0x65: {  	p5 =	sne.s32 s29, s15;
	s20 =	sshll.u32 @p4 s1, $0x6;
	[sflag:s2] =	ssyncset.done @!p3 $0x0  }
0x66: {  	[sflag:s2] =	ssyncadd.s32 @!p3 $0xFFFFD880;
	s2 =	sor.u32 @p4 $0x1C03, s20;
	s20 =	sshrl.u32 @p4 s4, $0x3  }
0x67: {  	[hbm:s14@s30], [sflag:s2] =	dma.strided @p4 [spmem:s20@s31], $0x4F0, s22, $0x10   }
.Ltmp2:
0x68: {  	_ = 	snop;
	(pc) =	sbr.rel @p5 .LBB2_1-.Ltmp2, $4  }
0x69: {  	s2 =	simm.s32 @p4 $0x3  }
0x6a: {  	_ =	swait.ge @p4 [sflag:s2], $0x4F0  }
0x6b: {  	[sflag:s2] =	ssyncset.done @p4 $0x0  }
0x6c: {  	[sflag:s2] =	ssyncadd.s32 @p4 $0xFFFFFB10  }
0x6d: {  	_ =	sfence.sel $0x180000  }
0x6e: {  	[bflag:$0x0] =	sbarrier.arrive $0xFFFF  }
0x6f: {  	_ =	strace $0x90000047  }
0x70: {  	[bflag:$0x2] =	sbarrier.arrive $0xFFFF  }
0x71: {  	p0 =	sne.s32 s1, $0x0;
	s0 =	rddreg [dreg:$0x5]  }
0x72: {  	s0 =	sadd.s32 @!p0 $0x100000, s0  }
0x73: {  	[sflag:s0] =	ssyncadd.tile.s32 @!p0 $0x1;
	_ =	shalt  }
.Lfunc_end2:
_tile_overlayer_lowered:
.L_overlay_start_2:
0x74: {  	(tag) =	ssettag $0x2  }
0x75: {  	s0 =	rddreg [dreg:$0x0];
	s2 =	stileid.u32  }
0x76: {  	s1 =	rddreg [dreg:$0x1];
	p0 =	sne.s32 s2, $0x0  }
0x77: {  	s3 =	rddreg [dreg:$0x2];
	[bflag:$0x3] =	sbarrier.arrive $0xFFFF;
	s2 =	simm.s32 @!p0 $0x1C03  }
0x78: {  	[timem:s3], [sflag:s2] =	dma.local @!p0 [hbm:s0], s1  }
0x79: {  	s0 =	simm.s32 @!p0 $0x3  }
0x7a: {  	_ =	swait.ge @!p0 [sflag:s0], s1  }
0x7b: {  	s1 =	ssub.s32 @!p0 $0x0, s1;
	[sflag:s0] =	ssyncset.done @!p0 $0x0  }
0x7c: {  	[sflag:s0] =	ssyncadd.s32 @!p0 s1  }
0x7d: {  	[bflag:$0x3] =	sbarrier.arrive $0xFFFF  }
0x7e: {  	_ =	shalt  }

// kernel: kernel.9.cloned.1.call-start
scs
__scs_entry_jumppad:
0x0: {  	(pc) =	sbr.rel $0x88, $3  }
0x1: {  	(tag) =	ssettag $0x0;
	lr =	simm.s32 $0x1  }
0x2: {  	[smem:$0x3F97] =	sst lr;
	_ =	strace $0xD0000000  }
0x3: {  	_ = 	snop  }
0x4: {  	_ = 	snop  }
0x5: {  	_ = 	snop  }
0x6: {  	_ = 	snop  }
0x7: {  	_ = 	snop  }
__scs_overlays_trampoline_lowered:
0x8: {  	[smem:$0x3FA6] =	sst s0  }
0x9: {  	[smem:$0x3FA7] =	sst s1  }
0xa: {  	[smem:$0x3FA8] =	sst s2  }
0xb: {  	[smem:$0x3FA9] =	sst s3  }
0xc: {  	[smem:$0x3FAA] =	sst s4  }
0xd: {  	[smem:$0x3FAB] =	sst s5  }
0xe: {  	[smem:$0x3FAC] =	sst s6  }
0xf: {  	[smem:$0x3FAD] =	sst s7  }
0x10: {  	[smem:$0x3FAE] =	sst s8  }
0x11: {  	[smem:$0x3FAF] =	sst s9;
	s0 =	simm.s32 @!p0 $0x0  }
0x12: {  	s1 =	sld [smem:$0x3F95];
	s0 =	simm.s32 @p0 $0x1  }
0x13: {  	[smem:$0x3FB0] =	sst s0;
	s0 =	simm.s32 @!p1 $0x0  }
0x14: {  	s2 =	sld [smem:$0x3F94];
	s0 =	simm.s32 @p1 $0x1  }
0x15: {  	[smem:$0x3FB1] =	sst s0;
	s0 =	simm.s32 @!p2 $0x0  }
0x16: {  	s3 =	sld [smem:$0x3FDB];
	s0 =	simm.s32 @p2 $0x1  }
0x17: {  	s4 =	simm.s32 $0x1BF5;
	[smem:$0x3FB3] =	sst s0  }
0x18: {  	s0 =	sld [smem:$0x3F96];
	_ =	swait.ge [sflag:s4], $0x0  }
0x19: {  	s7 =	sld [smem:$0x3F97]  }
0x1a: {  	s8 =	sadd.s32 $0xFFFFE003, lr  }
0x1b: {  	s9 =	sadd.s32 $0xFFFFFEF7, lr;
	s5 =	simm.s32 $0xFFFFFFFF;
	p2 =	slt.u32 s8, $0xFFFFF086  }
0x1c: {  	p1 =	slt.u32 s9, $0xF7A;
	s5 =	simm.s32 @!p2 $0x0  }
0x1d: {  	s5 =	simm.s32 @p1 $0x1;
	p0 =	seq.s32 s7, s2  }
0x1e: {  	s7 =	smul.u32 @!p0 $0xF7A, s2;
	p2 =	seq.s32 @!p0 s5, $0x0  }
0x1f: {  	s9 =	smul.u32 $0xF7A, s1;
	s8 =	simm.s32 @!p0 $0x1BF5;
	p2 =	por !p2, p0  }
0x20: {  	[sflag:s8] =	ssyncset.s32 @!p0 $0xFFFFF086;
	s6 =	sadd.s32 @!p0 s3, s7;
	s7 =	simm.s32 @!p0 $0x108  }
0x21: {  	s3 =	sadd.s32 s3, s9;
	s6 =	sadd.s32 @!p0 $0x88, s6;
	s7 =	simm.s32 @p2 $0x1082  }
0x22: {  	[simem:s7], [sflag:s8] =	dma.local @!p0 [hbm:s6], $0xF7A  }
0x23: {  	s9 =	sor.u32 $0xD0000000, s2;
	s6 =	simm.s32 $0x108;
	_ =	swait.ge @!p0 [sflag:s8], $0x0  }
0x24: {  	s3 =	sadd.s32 $0x88, s3;
	s6 =	simm.s32 @!p1 $0x1082;
	[sflag:s4] =	ssyncset.s32 $0xFFFFF086  }
0x25: {  	[simem:s6], [sflag:s4] =	dma.local [hbm:s3], $0xF7A  }
0x26: {  	[smem:$0x3F97] =	sst s1;
	(tag) =	ssettag s2;
	_ =	strace s9  }
0x27: {  	s1 =	sld [smem:$0x3FA7]  }
0x28: {  	s2 =	sld [smem:$0x3FA8]  }
0x29: {  	s4 =	sld [smem:$0x3FAA]  }
0x2a: {  	p0 =	seq.s32 s5, $0x0;
	s5 =	sld [smem:$0x3FAB]  }
0x2b: {  	s6 =	sld [smem:$0x3FAC]  }
0x2c: {  	s7 =	sld [smem:$0x3FAD]  }
0x2d: {  	s3 =	simm.s32 $0x108;
	s8 =	sld [smem:$0x3FAE]  }
0x2e: {  	s3 =	simm.s32 @!p0 $0x1082;
	s9 =	sld [smem:$0x3FAF]  }
0x2f: {  	lr =	sadd.s32 s0, s3;
	s0 =	sld [smem:$0x3FA6]  }
0x30: {  	s3 =	sld [smem:$0x3FA9]  }
0x31: {  	[smem:$0x3FB2] =	sst s10  }
0x32: {  	s10 =	sld [smem:$0x3FB0];
	_ =	sdelay $0x3  }
0x33: {  	p0 =	seq.s32 s10, $0x1;
	s10 =	sld [smem:$0x3FB2];
	_ =	sdelay $0x3  }
0x34: {  	[smem:$0x3FB2] =	sst s10  }
0x35: {  	s10 =	sld [smem:$0x3FB1];
	_ =	sdelay $0x3  }
0x36: {  	p1 =	seq.s32 s10, $0x1;
	s10 =	sld [smem:$0x3FB2];
	_ =	sdelay $0x3  }
0x37: {  	[smem:$0x3FB2] =	sst s10  }
0x38: {  	s10 =	sld [smem:$0x3FB3]  }
0x39: {  	_ = 	snop;
	(pc) =	sbr.ind lr, $3  }
0x3a: {  	_ = 	snop  }
0x3b: {  	_ = 	snop  }
0x3c: {  	p2 =	seq.s32 s10, $0x1;
	s10 =	sld [smem:$0x3FB2]  }
0x3d: {  	_ =	shalt  }
0x3e: {  	_ =	shalt  }
0x3f: {  	_ =	shalt  }
0x40: {  	_ =	shalt  }
0x41: {  	_ =	shalt  }
0x42: {  	_ =	shalt  }
0x43: {  	_ =	shalt  }
0x44: {  	_ =	shalt  }
0x45: {  	_ =	shalt  }
0x46: {  	_ =	shalt  }
0x47: {  	_ =	shalt  }
0x48: {  	_ =	shalt  }
0x49: {  	_ =	shalt  }
0x4a: {  	_ =	shalt  }
0x4b: {  	_ =	shalt  }
0x4c: {  	_ =	shalt  }
0x4d: {  	_ =	shalt  }
0x4e: {  	_ =	shalt  }
0x4f: {  	_ =	shalt  }
0x50: {  	_ =	shalt  }
0x51: {  	_ =	shalt  }
0x52: {  	_ =	shalt  }
0x53: {  	_ =	shalt  }
0x54: {  	_ =	shalt  }
0x55: {  	_ =	shalt  }
0x56: {  	_ =	shalt  }
0x57: {  	_ =	shalt  }
0x58: {  	_ =	shalt  }
0x59: {  	_ =	shalt  }
0x5a: {  	_ =	shalt  }
0x5b: {  	_ =	shalt  }
0x5c: {  	_ =	shalt  }
0x5d: {  	_ =	shalt  }
0x5e: {  	_ =	shalt  }
0x5f: {  	_ =	shalt  }
0x60: {  	_ =	shalt  }
0x61: {  	_ =	shalt  }
0x62: {  	_ =	shalt  }
0x63: {  	_ =	shalt  }
0x64: {  	_ =	shalt  }
0x65: {  	_ =	shalt  }
0x66: {  	_ =	shalt  }
0x67: {  	_ =	shalt  }
0x68: {  	_ =	shalt  }
0x69: {  	_ =	shalt  }
0x6a: {  	_ =	shalt  }
0x6b: {  	_ =	shalt  }
0x6c: {  	_ =	shalt  }
0x6d: {  	_ =	shalt  }
0x6e: {  	_ =	shalt  }
0x6f: {  	_ =	shalt  }
0x70: {  	_ =	shalt  }
0x71: {  	_ =	shalt  }
0x72: {  	_ =	shalt  }
0x73: {  	_ =	shalt  }
0x74: {  	_ =	shalt  }
0x75: {  	_ =	shalt  }
0x76: {  	_ =	shalt  }
0x77: {  	_ =	shalt  }
0x78: {  	_ =	shalt  }
0x79: {  	_ =	shalt  }
0x7a: {  	_ =	shalt  }
0x7b: {  	_ =	shalt  }
0x7c: {  	_ =	shalt  }
0x7d: {  	_ =	shalt  }
0x7e: {  	_ =	shalt  }
0x7f: {  	_ =	shalt  }
0x80: {  	_ =	shalt  }
0x81: {  	_ =	shalt  }
0x82: {  	_ =	shalt  }
0x83: {  	_ =	shalt  }
0x84: {  	_ =	shalt  }
0x85: {  	_ =	shalt  }
0x86: {  	_ =	shalt  }
0x87: {  	_ =	shalt  }
.Lfunc_end0:
.L_simem_size_0:
called_computation.1_lowered:
.L_overlay_start_0:
0x88: {  	s2 =	sld [smem:$0x3FD9]  }
0x89: {  	s3 =	sld [smem:$0x3FFE];
	_ =	sdelay $0x1  }
0x8a: {  	s1 =	srdreg.scid  }
0x8b: {  	s0 =	sand.u32 $0x1, s1  }
0x8c: {  	s17 =	sshll.u32 s0, $0xA;
	s2 =	sadd.s32 s3, s2  }
0x8d: {  	s2 =	sadd.s32 s2, s17  }
0x8e: {  	[smem:$0x3FBE] =	sst s2  }
0x8f: {  	_ = 	snop  }
0x90: {  	s2 =	sld [smem:$0x3FD0];
	(tm) =	ssettm $0x1  }
0x91: {  	s18 =	sld [smem:$0x3FFB];
	_ =	sdelay $0x3  }
0x92: {  	_ =	strace s18  }
0x93: {  	s3 =	sld [smem:$0x3FFC];
	_ =	sdelay $0x3  }
0x94: {  	_ =	strace s3  }
0x95: {  	s3 =	sld [smem:$0x3FFD];
	_ =	sdelay $0x3  }
0x96: {  	_ =	strace s3  }
0x97: {  	_ =	strace $0x8FFFFFFF  }
0x98: {  	s19 =	sld [smem:$0x3FDB];
	_ =	sdelay $0x1  }
0x99: {  	s4 =	simm.s32 $_scs_section_size  }
0x9a: {  	s5 =	simm.s32 $_size__tile_overlayer_lowered;
	s6 =	simm.s32 $_tile_overlayer_lowered  }
0x9b: {  	s22 =	simm.s32 $0x1BFF;
	s21 =	sshll.u32 s6, $0x1;
	s3 =	sadd.s32 s4, s19  }
0x9c: {  	s7 =	simm.s32 $0x0;
	s20 =	sshll.u32 s5, $0x1;
	s5 =	sadd.s32 s21, s3  }
0x9d: {  	[timem:s7], [sflag:s22] =	dma.local [hbm:s5], s20  }
0x9e: {  	_ =	swait.ge [sflag:s22], s20  }
0x9f: {  	s4 =	ssub.s32 $0x0, s20;
	[sflag:s22] =	ssyncset.done $0x0  }
0xa0: {  	[sflag:s22] =	ssyncadd.s32 s4;
	_ =	sdelay $0x1  }
0xa1: {  	s23 =	simm.s32 $0x1B8B  }
0xa2: {  	_ =	swait.ge [sflag:s23], $0x1  }
0xa3: {  	[sflag:s23] =	ssyncset.done $0x0  }
0xa4: {  	s25 =	simm.s32 $0x1B8E;
	s24 =	sld [smem:$0x3FFE];
	[sflag:s23] =	ssyncadd.s32 $0xFFFFFFFF  }
0xa5: {  	s26 =	simm.s32 $execute0_lowered;
	[smem:$0x3FD2] =	sst s25  }
0xa6: {  	s5 =	sshll.u32 s26, $0x1;
	_ =	strace $0x80000049;
	[dreg:$0x1] =	wrdreg $0xFFFFFFFF  }
0xa7: {  	s28 =	simm.s32 $_size_execute0_lowered;
	s3 =	sadd.s32 s3, s5;
	[dreg:$0x0] =	wrdreg $0x0  }
0xa8: {  	s5 =	sshll.u32 s28, $0x1;
	[dreg:$0x2] =	wrdreg s3  }
0xa9: {  	[dreg:$0x3] =	wrdreg s5  }
0xaa: {  	[dreg:$0x4] =	wrdreg $0xC0  }
0xab: {  	_ =	task [dreg:s7], $0x5FFFF  }
0xac: {  	[dreg:$0x1] =	wrdreg $0xFFFFFFFF  }
0xad: {  	[dreg:$0x0] =	wrdreg $0x60  }
0xae: {  	[dreg:$0x2] =	wrdreg s2  }
0xaf: {  	[dreg:$0x3] =	wrdreg s24  }
0xb0: {  	[dreg:$0x4] =	wrdreg $0x0  }
0xb1: {  	[dreg:$0x5] =	wrdreg $0x9  }
0xb2: {  	_ =	task.clear_ibuf [dreg:s7], $0x6FFFF;
	_ =	strace $0x90000049  }
0xb3: {  	s29 =	simm.s32 $0x9;
	_ =	strace $0x8000004B  }
0xb4: {  	_ =	swait.ge [sflag:s29], $0x1  }
0xb5: {  	[sflag:s29] =	ssyncadd.s32 $0xFFFFFFFF  }
0xb6: {  	_ =	strace $0x9000004B  }
0xb7: {  	_ =	sfence  }
0xb8: {  	s30 =	sld [smem:$0x0];
	_ =	sdelay $0x2  }
0xb9: {  	s31 =	sshll.u32 s1, $0xD;
	s1 =	sshrl.u32 s1, $0x2  }
0xba: {  	s3 =	sand.u32 $0x4000, s31;
	s1 =	sadd.s32 s1, s30  }
0xbb: {  	s0 =	sor.u32 s3, s0;
	s1 =	sshll.u32 s1, $0x11  }
0xbc: {  	s0 =	sor.u32 s1, s0  }
0xbd: {  	s0 =	sadd.s32 $0x8F2B, s0  }
0xbe: {  	[sflag:s0] =	ssyncadd.remote.s32 $0x1  }
0xbf: {  	_ =	sfence.sel $0xFFFF  }
0xc0: {  	[dreg:$0x0] =	wrdreg $0xFFFFFFFF;
	(pc) =	sbr.abs _section_cstart, $3  }
0xc1: {  	[dreg:$0x1] =	wrdreg $0xFFFFFFFF  }
0xc2: {  	_ =	task.clear_ibuf [dreg:s7], $0x2FFFF;
	_ =	strace $0x9FFFFFFF  }
0xc3: {  	(tm) =	ssettm $0x7FFFFFFF  }
tec
execute0_lowered:
.L_overlay_start_1:
0x0: {  	(tag) =	ssettag $0x1  }
0x1: {  	s1 =	rddreg [dreg:$0x0]  }
0x2: {  	s6 =	rddreg [dreg:$0x1]  }
0x3: {  	s2 =	srdreg.scid;
	s0 =	stileid.u32  }
0x4: {  	s3 =	rddreg [dreg:$0x2];
	s4 =	simm.s32 $0x0;
	s15 =	simm.s32 $0x2  }
0x5: {  	s16 =	simm.s32 $0x16080;
	s17 =	simm.s32 $0x7D;
	s18 =	simm.s32 $0x18880  }
0x6: {  	s19 =	simm.s32 $0x1;
	s20 =	simm.s32 $0x0;
	s7 =	sand.u32 $0x1, s2  }
0x7: {  	s5 =	sshll.u32 s0, $0x1;
	s2 =	rddreg [dreg:$0x3];
	s9 =	smul.u32 $0x4F000, s0  }
0x8: {  	[smem:$0x7FF] =	sst s4;
	s10 =	sadd.s32 $0x19800, s6;
	s12 =	smul.u32 $0x13C00, s0  }
0x9: {  	s14 =	sadd.s32 $0x128400, s3;
	p0 =	seq.s32 s0, $0xF;
	s5 =	sor.u32 s7, s5  }
0xa: {  	_ =	strace $0x8000004A;
	s26 =	ssub.s32 $0x2, s7;
	s7 =	smul.u32 $0x138800, s7  }
0xb: {  	s5 =	smul.u32 $0x500, s5;
	s11 =	sshrl.u32 s26, $0x1;
	s9 =	sshrl.u32 s9, $0x2  }
0xc: {  	s11 =	ssub.s32 s26, s11;
	s13 =	sadd.s32 s9, s3;
	s28 =	sadd.s32 s12, s7  }
0xd: {  	s29 =	sshrl.u32 s7, $0x3;
	s12 =	sshll.u32 @!p0 s0, $0x6;
	s8 =	sadd.s32 s5, s6  }
0xe: {  	s5 =	sadd.s32 $0x16A00, s6;
	s30 =	sshrl.u32 s28, $0x3;
	s31 =	sadd.s32 s10, s29  }
0xf: {  	s12 =	sor.u32 @!p0 $0x1C02, s12;
	s13 =	sshrl.u32 @!p0 s13, $0x3;
	s6 =	sadd.s32 $0x2A00, s8  }
0x10: {  	s7 =	sadd.s32 $0xCA00, s8;
	s8 =	sadd.s32 s10, s30;
	s9 =	sadd.s32 $0x25080, s31  }
0x11: {  	s10 =	smax.u32 s11, $0x1;
	s11 =	sshrl.u32 @p0 s14, $0x3;
	s14 =	simm.s32 $0x13880  }
.LBB2_1:
0x12: {  	s21 =	simm.s32 @p0 $0x1FC2  }
0x13: {  	[spmem:s11], [sflag:s21] =	dma.local @p0 [hbm:s5], $0x2080  }
0x14: {  	s21 =	simm.s32 @p0 $0x2  }
0x15: {  	_ =	swait.ge @p0 [sflag:s21], $0x2080  }
0x16: {  	[sflag:s21] =	ssyncset.done @p0 $0x0  }
0x17: {  	[sflag:s21] =	ssyncadd.s32 @p0 $0xFFFFDF80;
	s21 =	simm.s32 @!p0 $0x2  }
0x18: {  	[spmem:s13], [sflag:s12] =	dma.local @!p0 [hbm:s5], $0x2780  }
0x19: {  	_ =	swait.ge @!p0 [sflag:s21], $0x2780  }
0x1a: {  	[sflag:s21] =	ssyncset.done @!p0 $0x0  }
0x1b: {  	[sflag:s21] =	ssyncadd.s32 @!p0 $0xFFFFD880  }
0x1c: {  	[tilespmem:s14], [sflag:$0x2] =	stream.linear.gather [hbm4b:s6+s4], $0x2800, $0x38;
	[tilespmem:$0x1C880] =	vst v63  }
0x1d: {  	_ =	swait.ge [sflag:s15], $0x2800  }
0x1e: {  	[sflag:s15] =	ssyncset.done $0x0  }
0x1f: {  	[sflag:s15] =	ssyncadd.s32 $0xFFFFD800  }
0x20: {  	[tilespmem:s16], [sflag:$0x2] =	stream.linear.gather [hbm4b:s7+s4], $0x2800, $0x38;
	[tilespmem:$0x1C880] =	vst v63  }
0x21: {  	_ =	swait.ge [sflag:s15], $0x2800  }
0x22: {  	[sflag:s15] =	ssyncset.done $0x0  }
0x23: {  	[sflag:s15] =	ssyncadd.s32 $0xFFFFD800  }
0x24: {  	s30 =	simm.s32 $0x13880;
	[bflag:$0x0] =	sbarrier.arrive $0xFFFF  }
0x25: {  	[tilespmem:s18], [sflag:$0x1] =	stream.indirect.gather [hbm4b:s1+s17], $0x80, s30, s17, $0xb8;
	[tilespmem:$0x1C880] =	vst v63  }
0x26: {  	_ =	swait.ge [sflag:s19], $0x3E80  }
0x27: {  	[sflag:s19] =	ssyncset.done $0x0  }
0x28: {  	s31 =	simm.s32 $0x16080;
	[sflag:s19] =	ssyncadd.s32 $0xFFFFC180  }
0x29: {  	[spmem:s3] =	stream.indirect.scatter.add.f32 [tilespmem:s18], [sflag:$0x2], $0x80, s31, s17, $0xb8;
	[tilespmem:$0x1C880] =	vst v63  }
0x2a: {  	_ =	swait.ge [sflag:s15], $0x3E80  }
0x2b: {  	s22 =	simm.s32 $0x400;
	s21 =	simm.s32 $0x80;
	[sflag:s15] =	ssyncset.done $0x0  }
.LBB2_2:
0x2c: {  	s23 =	sadd.s32 $0x13880, s21  }
0x2d: {  	[sflag:s15] =	ssyncadd.s32 $0xFFFFC180;
	s24 =	smov.u32 s22;
	s25 =	sadd.s32 $0x200, s22  }
0x2e: {  	[tilespmem:s18], [sflag:$0x1] =	stream.indirect.gather [hbm4b:s1+s17], $0x80, s23, s17, $0xb8;
	[tilespmem:$0x1C880] =	vst v63  }
0x2f: {  	p1 =	sne.s32 s22, $0x9E00;
	_ =	swait.ge [sflag:s19], $0x3E80  }
.Ltmp0:
0x30: {  	[sflag:s19] =	ssyncset.done $0x0;
	(pc) =	sbr.rel @p1 .LBB2_2-.Ltmp0, $4  }
0x31: {  	s21 =	sadd.s32 $0x16080, s21;
	[sflag:s19] =	ssyncadd.s32 $0xFFFFC180  }
0x32: {  	[spmem:s3] =	stream.indirect.scatter.add.f32 [tilespmem:s18], [sflag:$0x2], $0x80, s21, s17, $0xb8;
	[tilespmem:$0x1C880] =	vst v63  }
0x33: {  	_ =	swait.ge [sflag:s15], $0x3E80  }
0x34: {  	s22 =	smov.u32 s25;
	s21 =	sshra.s32 s24, $0x2;
	[sflag:s15] =	ssyncset.done $0x0  }
0x35: {  	s22 =	sadd.s32 $0x13880, s21;
	[sflag:s15] =	ssyncadd.s32 $0xFFFFC180  }
0x36: {  	[tilespmem:s18], [sflag:$0x1] =	stream.indirect.gather [hbm4b:s1+s17], $0x80, s22, s17, $0xb8;
	[tilespmem:$0x1C880] =	vst v63  }
0x37: {  	_ =	swait.ge [sflag:s19], $0x3E80  }
0x38: {  	[sflag:s19] =	ssyncset.done $0x0  }
0x39: {  	s31 =	sadd.s32 $0x16080, s21;
	[sflag:s19] =	ssyncadd.s32 $0xFFFFC180  }
0x3a: {  	[spmem:s3] =	stream.indirect.scatter.add.f32 [tilespmem:s18], [sflag:$0x2], $0x80, s31, s17, $0xb8;
	[tilespmem:$0x1C880] =	vst v63  }
0x3b: {  	_ =	swait.ge [sflag:s15], $0x3E80  }
0x3c: {  	[sflag:s15] =	ssyncset.done $0x0  }
0x3d: {  	[sflag:s15] =	ssyncadd.s32 $0xFFFFC180  }
0x3e: {  	s21 =	simm.s32 @p0 $0x1FC2;
	[bflag:$0x0] =	sbarrier.arrive $0xFFFF  }
0x3f: {  	[hbm:s9], [sflag:s21] =	dma.local @p0 [spmem:s11], $0x2080  }
0x40: {  	s21 =	simm.s32 @p0 $0x2  }
0x41: {  	s20 =	sadd.s32 $0x1, s20;
	_ =	swait.ge @p0 [sflag:s21], $0x2080  }
0x42: {  	p1 =	sne.s32 s20, s10;
	[sflag:s21] =	ssyncset.done @p0 $0x0  }
.Ltmp1:
0x43: {  	[sflag:s21] =	ssyncadd.s32 @p0 $0xFFFFDF80;
	s21 =	simm.s32 @!p0 $0x2;
	(pc) =	sbr.rel @p1 .LBB2_1-.Ltmp1, $4  }
0x44: {  	[hbm:s8], [sflag:s12] =	dma.local @!p0 [spmem:s13], $0x2780  }
0x45: {  	_ =	swait.ge @!p0 [sflag:s21], $0x2780  }
0x46: {  	[sflag:s21] =	ssyncset.done @!p0 $0x0  }
0x47: {  	[sflag:s21] =	ssyncadd.s32 @!p0 $0xFFFFD880  }
0x48: {  	_ =	sfence.sel $0x180000  }
0x49: {  	[bflag:$0x0] =	sbarrier.arrive $0xFFFF  }
0x4a: {  	p0 =	sne.s32 s0, $0x0;
	_ =	strace $0x9000004A  }
0x4b: {  	s0 =	sadd.s32 @!p0 $0x100000, s2;
	[bflag:$0x2] =	sbarrier.arrive $0xFFFF  }
0x4c: {  	[sflag:s0] =	ssyncadd.tile.s32 @!p0 $0x1;
	_ =	shalt  }
.Lfunc_end2:
_tile_overlayer_lowered:
.L_overlay_start_2:
0x4d: {  	(tag) =	ssettag $0x2  }
0x4e: {  	s0 =	rddreg [dreg:$0x0];
	s2 =	stileid.u32  }
0x4f: {  	s1 =	rddreg [dreg:$0x1];
	p0 =	sne.s32 s2, $0x0  }
0x50: {  	s3 =	rddreg [dreg:$0x2];
	[bflag:$0x3] =	sbarrier.arrive $0xFFFF;
	s2 =	simm.s32 @!p0 $0x1C02  }
0x51: {  	[timem:s3], [sflag:s2] =	dma.local @!p0 [hbm:s0], s1  }
0x52: {  	s0 =	simm.s32 @!p0 $0x2  }
0x53: {  	_ =	swait.ge @!p0 [sflag:s0], s1  }
0x54: {  	s1 =	ssub.s32 @!p0 $0x0, s1;
	[sflag:s0] =	ssyncset.done @!p0 $0x0  }
0x55: {  	[sflag:s0] =	ssyncadd.s32 @!p0 s1  }
0x56: {  	[bflag:$0x3] =	sbarrier.arrive $0xFFFF  }
0x57: {  	_ =	shalt  }

</sc_bundles>
